<compile_context>
chip_gen: v7x
topology: tpu7x:2x2x1
jax: 0.10.2.dev20260603
libtpu: 0.0.44.dev20260713+nightly
codegen_flags: <defaults>
</compile_context>

<pallas_src>
import functools
import math

import jax
import jax.numpy as jnp
from jax import lax
from jax.experimental import pallas as pl
from jax.experimental.pallas import tpu as pltpu
from jax.experimental.pallas import tpu_sc as plsc

VOCAB = 1000000
MAXLEN = 200
EDIM = 32
BATCH = 4096

TOTAL_ROWS = BATCH * MAXLEN
GATHER = 128
CHUNK = 2
UROWS = GATHER * CHUNK
NBUF = 6
GLAG = 4

POS_REPS = (MAXLEN + UROWS - 1) // MAXLEN + 1


def _build_sc_kernel():
    info = plsc.get_sparse_core_info()
    nc, ns = info.num_cores, info.num_subcores
    nw = nc * ns
    rows_per_w = TOTAL_ROWS // nw
    units = rows_per_w // UROWS
    padded_steps = ((units + GLAG + NBUF - 1) // NBUF) * NBUF

    mesh = plsc.VectorSubcoreMesh(core_axis_name="c", subcore_axis_name="s")

    @functools.partial(
        pl.kernel,
        mesh=mesh,
        out_type=jax.ShapeDtypeStruct((TOTAL_ROWS, EDIM), jnp.float32),
        scratch_types=(
            [pltpu.VMEM((rows_per_w,), jnp.int32),
             pltpu.VMEM((POS_REPS * MAXLEN, EDIM), jnp.float32)]
            + [pltpu.VMEM((UROWS, EDIM), jnp.float32) for _ in range(NBUF)]
            + [pltpu.SemaphoreType.DMA for _ in range(2 * NBUF)]
        ),
        compiler_params=pltpu.CompilerParams(use_tc_tiling_on_sc=False),
    )
    def sc_kernel(table_hbm, idx_hbm, pos_hbm, out_hbm, idx_v, pos_v, *rest):
        bufs = rest[:NBUF]
        gsem = rest[NBUF:2 * NBUF]
        ssem = rest[2 * NBUF:3 * NBUF]

        wid = lax.axis_index("s") * nc + lax.axis_index("c")
        base = wid * rows_per_w
        pltpu.sync_copy(idx_hbm.at[pl.ds(base, rows_per_w)], idx_v)
        pltpu.sync_copy(pos_hbm, pos_v)

        def start_g(u, b):
            for j in range(CHUNK):
                pltpu.async_copy(
                    table_hbm.at[idx_v.at[pl.ds(u * UROWS + j * GATHER, GATHER)]],
                    bufs[b].at[pl.ds(j * GATHER, GATHER)], gsem[b])

        def wait_g(b):
            for j in range(CHUNK):
                pltpu.make_async_copy(
                    table_hbm.at[idx_v.at[pl.ds(j * GATHER, GATHER)]],
                    bufs[b].at[pl.ds(j * GATHER, GATHER)], gsem[b]).wait()

        def add_pos(u, b):
            p0 = lax.rem(u * UROWS, MAXLEN)

            def row_add(r, c):
                p = p0 + r
                for h in range(EDIM // 16):
                    sl = pl.ds(h * 16, 16)
                    bufs[b][r, sl] = bufs[b][r, sl] + pos_v[p, sl]
                return c

            lax.fori_loop(0, UROWS, row_add, 0, unroll=4)

        def start_s(u, b):
            pltpu.async_copy(
                bufs[b], out_hbm.at[pl.ds(base + u * UROWS, UROWS)], ssem[b])

        def wait_s(b):
            pltpu.make_async_copy(
                bufs[b], out_hbm.at[pl.ds(base, UROWS)], ssem[b]).wait()

        @pl.loop(0, padded_steps, step=NBUF)
        def step_loop(s):
            for b in range(NBUF):
                u = s + b

                @pl.when(jnp.logical_and(u >= NBUF, u < units))
                def _():
                    wait_s(b)

                @pl.when(u < units)
                def _():
                    start_g(u, b)

                b1 = (b - GLAG) % NBUF
                u1 = u - GLAG

                @pl.when(jnp.logical_and(u1 >= 0, u1 < units))
                def _():
                    wait_g(b1)
                    add_pos(u1, b1)
                    start_s(u1, b1)

        for u in range(units - NBUF, units):
            wait_s(u % NBUF)

    return sc_kernel


_SC_KERNEL = _build_sc_kernel()


@jax.jit
def kernel(x, token_table, pos_table):
    xf = x.reshape(-1).astype(jnp.int32)
    pos_rep = jnp.tile(pos_table, (POS_REPS, 1))
    out = _SC_KERNEL(token_table, xf, pos_rep)
    return out.reshape(BATCH, MAXLEN, EDIM)

# --- scband reference (transcript-rebuilt; emitter-appended) ---
"""Pipeline reference for scband-token-and-position-embedding-13426067767911 (READ-ONLY COPY).

The authoritative reference and input builder live on the scoring server;
editing this copy changes nothing except your own understanding.
"""

import jax, jax.numpy as jnp
import numpy as np

VOCAB_SIZE = 1000000
MAXLEN = 200
EMBED_DIM = 32
BATCH = 4096

def setup_inputs(seed: int = 0) -> dict:
    key = jax.random.key(seed)
    k1, k2, k3 = jax.random.split(key, 3)
    x = jax.random.randint(k1, (BATCH, MAXLEN), 0, VOCAB_SIZE, dtype=jnp.int64 if jax.config.jax_enable_x64 else jnp.int32)
    token_table = jax.random.normal(k2, (VOCAB_SIZE, EMBED_DIM), dtype=jnp.float32) * 0.05
    pos_table = jax.random.normal(k3, (MAXLEN, EMBED_DIM), dtype=jnp.float32) * 0.05
    return {"x": x, "token_table": token_table, "pos_table": pos_table}

def reference(x, token_table, pos_table):
    seqlen = x.shape[-1]
    positions = jnp.arange(seqlen)
    pos_emb = jnp.take(pos_table, positions, axis=0)  # [seqlen, embed_dim]
    tok_emb = jnp.take(token_table, x, axis=0)        # [batch, seqlen, embed_dim]
    return tok_emb + pos_emb[None, :, :]

if __name__ == "__main__":
    import jax
    _d = setup_inputs()
    print(jax.jit(kernel)(*tuple(_d.values())))

</pallas_src>

<mosaic_0001>
#map = affine_map<(d0, d1) -> (0, 0)>
#map1 = affine_map<(d0, d1) -> (0)>
module attributes {stable_mosaic.version = 14 : i64} {
  func.func @sc_kernel(%arg0: i32, %arg1: i32, %arg2: memref<1000000x32xf32, #tpu.memory_space<hbm>>, %arg3: memref<819200xi32, #tpu.memory_space<hbm>>, %arg4: memref<600x32xf32, #tpu.memory_space<hbm>>, %arg5: memref<819200x32xf32, #tpu.memory_space<hbm>>, %arg6: memref<25600xi32, #tpu.memory_space<vmem>>, %arg7: memref<600x32xf32, #tpu.memory_space<vmem>>, %arg8: memref<256x32xf32, #tpu.memory_space<vmem>>, %arg9: memref<256x32xf32, #tpu.memory_space<vmem>>, %arg10: memref<256x32xf32, #tpu.memory_space<vmem>>, %arg11: memref<256x32xf32, #tpu.memory_space<vmem>>, %arg12: memref<256x32xf32, #tpu.memory_space<vmem>>, %arg13: memref<256x32xf32, #tpu.memory_space<vmem>>, %arg14: memref<!tpu.dma_semaphore, #tpu.memory_space<semaphore_mem>>, %arg15: memref<!tpu.dma_semaphore, #tpu.memory_space<semaphore_mem>>, %arg16: memref<!tpu.dma_semaphore, #tpu.memory_space<semaphore_mem>>, %arg17: memref<!tpu.dma_semaphore, #tpu.memory_space<semaphore_mem>>, %arg18: memref<!tpu.dma_semaphore, #tpu.memory_space<semaphore_mem>>, %arg19: memref<!tpu.dma_semaphore, #tpu.memory_space<semaphore_mem>>, %arg20: memref<!tpu.dma_semaphore, #tpu.memory_space<semaphore_mem>>, %arg21: memref<!tpu.dma_semaphore, #tpu.memory_space<semaphore_mem>>, %arg22: memref<!tpu.dma_semaphore, #tpu.memory_space<semaphore_mem>>, %arg23: memref<!tpu.dma_semaphore, #tpu.memory_space<semaphore_mem>>, %arg24: memref<!tpu.dma_semaphore, #tpu.memory_space<semaphore_mem>>, %arg25: memref<!tpu.dma_semaphore, #tpu.memory_space<semaphore_mem>>) attributes {dimension_semantics = [#tpu.dimension_semantics<core_parallel>, #tpu.dimension_semantics<subcore_parallel>], iteration_bounds = array<i64: 2, 16>, scalar_prefetch = 0 : i64, scratch_operands = 20 : i64, tpu.core_type = #tpu.core_type<sc_vector_subcore>, window_params = [{transform_indices = #map}, {transform_indices = #map1}, {transform_indices = #map}, {transform_indices = #map}]} {
    %mul3A = arith.constant 2 : i32
    %mul3A_0 = arith.muli %arg1, %mul3A : i32
    %add3A = arith.addi %mul3A_0, %arg0 : i32
    %mul3A_1 = arith.constant 25600 : i32
    %mul3A_2 = arith.muli %add3A, %mul3A_1 : i32
    "tpu.region"() ({
      %run_scoped3A = tpu.sem_alloc : memref<!tpu.dma_semaphore, #tpu.memory_space<semaphore_mem>>
      %dma_start3A = tpu.memref_slice %arg3[%mul3A_2] : memref<819200xi32, #tpu.memory_space<hbm>> -> memref<25600xi32, #tpu.memory_space<hbm>>
      %dma_start3A_30 = tpu.memref_slice %arg3[%mul3A_2] : memref<819200xi32, #tpu.memory_space<hbm>> -> memref<25600xi32, #tpu.memory_space<hbm>>
      tpu.enqueue_dma source(%dma_start3A_30 : memref<25600xi32, #tpu.memory_space<hbm>>) target(%arg6 : memref<25600xi32, #tpu.memory_space<vmem>>) target_semaphore(%run_scoped3A : memref<!tpu.dma_semaphore, #tpu.memory_space<semaphore_mem>>)
      %dma_wait3A_31 = tpu.memref_slice %arg3[%mul3A_2] : memref<819200xi32, #tpu.memory_space<hbm>> -> memref<25600xi32, #tpu.memory_space<hbm>>
      %dma_wait3A_32 = tpu.memref_slice %arg3[%mul3A_2] : memref<819200xi32, #tpu.memory_space<hbm>> -> memref<25600xi32, #tpu.memory_space<hbm>>
      tpu.wait_dma2 semaphore(%run_scoped3A : memref<!tpu.dma_semaphore, #tpu.memory_space<semaphore_mem>>) src(%dma_wait3A_32 : memref<25600xi32, #tpu.memory_space<hbm>>) dst(%arg6 : memref<25600xi32, #tpu.memory_space<vmem>>)
      tpu.yield
    }) : () -> ()
    "tpu.region"() ({
      %run_scoped3A = tpu.sem_alloc : memref<!tpu.dma_semaphore, #tpu.memory_space<semaphore_mem>>
      tpu.enqueue_dma source(%arg4 : memref<600x32xf32, #tpu.memory_space<hbm>>) target(%arg7 : memref<600x32xf32, #tpu.memory_space<vmem>>) target_semaphore(%run_scoped3A : memref<!tpu.dma_semaphore, #tpu.memory_space<semaphore_mem>>)
      tpu.wait_dma2 semaphore(%run_scoped3A : memref<!tpu.dma_semaphore, #tpu.memory_space<semaphore_mem>>) src(%arg4 : memref<600x32xf32, #tpu.memory_space<hbm>>) dst(%arg7 : memref<600x32xf32, #tpu.memory_space<vmem>>)
      tpu.yield
    }) : () -> ()
    %scan3A = arith.constant 0 : i32
    %scan3A_3 = arith.constant 18 : i32
    %scan3A_4 = arith.addi %scan3A, %scan3A_3 : i32
    %scan3A_5 = arith.constant 1 : i32
    scf.for %scan3A_30 = %scan3A to %scan3A_4 step %scan3A_5  : i32 {
      %mul3A_31 = arith.constant 6 : i32
      %mul3A_32 = arith.muli %scan3A_30, %mul3A_31 : i32
      %add3A_33 = arith.constant 0 : i32
      %add3A_34 = arith.addi %add3A_33, %mul3A_32 : i32
      %add3A_35 = arith.constant 0 : i32
      %add3A_36 = arith.addi %add3A_34, %add3A_35 : i32
      %ge3A = arith.constant 6 : i32
      %ge3A_37 = arith.cmpi sge, %add3A_36, %ge3A : i32
      %lt3A = arith.constant 100 : i32
      %lt3A_38 = arith.cmpi slt, %add3A_36, %lt3A : i32
      %and3A = arith.andi %ge3A_37, %lt3A_38 : i1
      %convert_element_type3A = arith.extui %and3A : i1 to i32
      %cond3A = arith.constant 0 : i32
      %cond3A_39 = arith.cmpi ne, %convert_element_type3A, %cond3A : i32
      scf.if %cond3A_39 {
        %dma_wait3A_179 = arith.constant 0 : i32
        %dma_wait3A_180 = tpu.memref_slice %arg5[%mul3A_2, %dma_wait3A_179] : memref<819200x32xf32, #tpu.memory_space<hbm>> -> memref<256x32xf32, #tpu.memory_space<hbm>>
        %dma_wait3A_181 = arith.constant 0 : i32
        %dma_wait3A_182 = tpu.memref_slice %arg5[%mul3A_2, %dma_wait3A_181] : memref<819200x32xf32, #tpu.memory_space<hbm>> -> memref<256x32xf32, #tpu.memory_space<hbm>>
        tpu.wait_dma2 semaphore(%arg20 : memref<!tpu.dma_semaphore, #tpu.memory_space<semaphore_mem>>) src(%arg8 : memref<256x32xf32, #tpu.memory_space<vmem>>) dst(%dma_wait3A_182 : memref<256x32xf32, #tpu.memory_space<hbm>>)
      } else {
      }
      %lt3A_40 = arith.constant 100 : i32
      %lt3A_41 = arith.cmpi slt, %add3A_36, %lt3A_40 : i32
      %convert_element_type3A_42 = arith.extui %lt3A_41 : i1 to i32
      %cond3A_43 = arith.constant 0 : i32
      %cond3A_44 = arith.cmpi ne, %convert_element_type3A_42, %cond3A_43 : i32
      scf.if %cond3A_44 {
        %mul3A_179 = arith.constant 256 : i32
        %mul3A_180 = arith.muli %add3A_36, %mul3A_179 : i32
        %add3A_181 = arith.constant 0 : i32
        %add3A_182 = arith.addi %mul3A_180, %add3A_181 : i32
        %dma_start3A = arith.constant 0 : i32
        %dma_start3A_183 = arith.constant 0 : i32
        %dma_start3A_184 = tpu.memref_slice %arg8[%dma_start3A, %dma_start3A_183] : memref<256x32xf32, #tpu.memory_space<vmem>> -> memref<128x32xf32, #tpu.memory_space<vmem>>
        %dma_start3A_185 = tpu.memref_slice %arg6[%add3A_182] : memref<25600xi32, #tpu.memory_space<vmem>> -> memref<128xi32, #tpu.memory_space<vmem>>
        %dma_start3A_186 = arith.constant 0 : i32
        %dma_start3A_187 = arith.constant 0 : i32
        %dma_start3A_188 = tpu.memref_slice %arg2[%dma_start3A_186, %dma_start3A_187] : memref<1000000x32xf32, #tpu.memory_space<hbm>> -> memref<1000000x32xf32, #tpu.memory_space<hbm>>
        tpu.enqueue_indirect_dma source(%dma_start3A_188 : memref<1000000x32xf32, #tpu.memory_space<hbm>>) target(%dma_start3A_184 : memref<128x32xf32, #tpu.memory_space<vmem>>) offsets(%dma_start3A_185 : memref<128xi32, #tpu.memory_space<vmem>>) semaphore(%arg14 : memref<!tpu.dma_semaphore, #tpu.memory_space<semaphore_mem>>)
        %mul3A_189 = arith.constant 256 : i32
        %mul3A_190 = arith.muli %add3A_36, %mul3A_189 : i32
        %add3A_191 = arith.constant 128 : i32
        %add3A_192 = arith.addi %mul3A_190, %add3A_191 : i32
        %dma_start3A_193 = arith.constant 128 : i32
        %dma_start3A_194 = arith.constant 0 : i32
        %dma_start3A_195 = tpu.memref_slice %arg8[%dma_start3A_193, %dma_start3A_194] : memref<256x32xf32, #tpu.memory_space<vmem>> -> memref<128x32xf32, #tpu.memory_space<vmem>>
        %dma_start3A_196 = tpu.memref_slice %arg6[%add3A_192] : memref<25600xi32, #tpu.memory_space<vmem>> -> memref<128xi32, #tpu.memory_space<vmem>>
        %dma_start3A_197 = arith.constant 0 : i32
        %dma_start3A_198 = arith.constant 0 : i32
        %dma_start3A_199 = tpu.memref_slice %arg2[%dma_start3A_197, %dma_start3A_198] : memref<1000000x32xf32, #tpu.memory_space<hbm>> -> memref<1000000x32xf32, #tpu.memory_space<hbm>>
        tpu.enqueue_indirect_dma source(%dma_start3A_199 : memref<1000000x32xf32, #tpu.memory_space<hbm>>) target(%dma_start3A_195 : memref<128x32xf32, #tpu.memory_space<vmem>>) offsets(%dma_start3A_196 : memref<128xi32, #tpu.memory_space<vmem>>) semaphore(%arg14 : memref<!tpu.dma_semaphore, #tpu.memory_space<semaphore_mem>>)
      } else {
      }
      %sub3A = arith.constant 4 : i32
      %sub3A_45 = arith.subi %add3A_36, %sub3A : i32
      %ge3A_46 = arith.constant 0 : i32
      %ge3A_47 = arith.cmpi sge, %sub3A_45, %ge3A_46 : i32
      %lt3A_48 = arith.constant 100 : i32
      %lt3A_49 = arith.cmpi slt, %sub3A_45, %lt3A_48 : i32
      %and3A_50 = arith.andi %ge3A_47, %lt3A_49 : i1
      %convert_element_type3A_51 = arith.extui %and3A_50 : i1 to i32
      %cond3A_52 = arith.constant 0 : i32
      %cond3A_53 = arith.cmpi ne, %convert_element_type3A_51, %cond3A_52 : i32
      scf.if %cond3A_53 {
        %dma_wait3A_179 = arith.constant 0 : i32
        %dma_wait3A_180 = arith.constant 0 : i32
        %dma_wait3A_181 = tpu.memref_slice %arg10[%dma_wait3A_179, %dma_wait3A_180] : memref<256x32xf32, #tpu.memory_space<vmem>> -> memref<128x32xf32, #tpu.memory_space<vmem>>
        %dma_wait3A_182 = arith.constant 0 : i32
        %dma_wait3A_183 = tpu.memref_slice %arg6[%dma_wait3A_182] : memref<25600xi32, #tpu.memory_space<vmem>> -> memref<128xi32, #tpu.memory_space<vmem>>
        %dma_wait3A_184 = arith.constant 0 : i32
        %dma_wait3A_185 = arith.constant 0 : i32
        %dma_wait3A_186 = tpu.memref_slice %arg2[%dma_wait3A_184, %dma_wait3A_185] : memref<1000000x32xf32, #tpu.memory_space<hbm>> -> memref<1000000x32xf32, #tpu.memory_space<hbm>>
        tpu.wait_indirect_dma semaphore(%arg16 : memref<!tpu.dma_semaphore, #tpu.memory_space<semaphore_mem>>) src(%dma_wait3A_186 : memref<1000000x32xf32, #tpu.memory_space<hbm>>) dst(%dma_wait3A_181 : memref<128x32xf32, #tpu.memory_space<vmem>>)
        %dma_wait3A_187 = arith.constant 128 : i32
        %dma_wait3A_188 = arith.constant 0 : i32
        %dma_wait3A_189 = tpu.memref_slice %arg10[%dma_wait3A_187, %dma_wait3A_188] : memref<256x32xf32, #tpu.memory_space<vmem>> -> memref<128x32xf32, #tpu.memory_space<vmem>>
        %dma_wait3A_190 = arith.constant 128 : i32
        %dma_wait3A_191 = tpu.memref_slice %arg6[%dma_wait3A_190] : memref<25600xi32, #tpu.memory_space<vmem>> -> memref<128xi32, #tpu.memory_space<vmem>>
        %dma_wait3A_192 = arith.constant 0 : i32
        %dma_wait3A_193 = arith.constant 0 : i32
        %dma_wait3A_194 = tpu.memref_slice %arg2[%dma_wait3A_192, %dma_wait3A_193] : memref<1000000x32xf32, #tpu.memory_space<hbm>> -> memref<1000000x32xf32, #tpu.memory_space<hbm>>
        tpu.wait_indirect_dma semaphore(%arg16 : memref<!tpu.dma_semaphore, #tpu.memory_space<semaphore_mem>>) src(%dma_wait3A_194 : memref<1000000x32xf32, #tpu.memory_space<hbm>>) dst(%dma_wait3A_189 : memref<128x32xf32, #tpu.memory_space<vmem>>)
        %mul3A_195 = arith.constant 256 : i32
        %mul3A_196 = arith.muli %sub3A_45, %mul3A_195 : i32
        %rem3A = arith.constant 200 : i32
        %rem3A_197 = arith.remsi %mul3A_196, %rem3A : i32
        %scan3A_198 = arith.constant 0 : i32
        %scan3A_199 = arith.constant 0 : i32
        %scan3A_200 = arith.constant 256 : i32
        %scan3A_201 = arith.addi %scan3A_199, %scan3A_200 : i32
        %scan3A_202 = arith.constant 4 : i32
        scf.for %scan3A_210 = %scan3A_199 to %scan3A_201 step %scan3A_202  : i32 {
          %add3A_211 = arith.addi %rem3A_197, %scan3A_210 : i32
          %get3A = arith.index_cast %scan3A_210 : i32 to index
          %get3A_212 = arith.constant 0 : index
          %get3A_213 = tpu.vector_load %arg10[%get3A, %get3A_212] {strides = array<i32>} : memref<256x32xf32, #tpu.memory_space<vmem>>, vector<1x16xf32>,
          %get3A_214 = vector.shape_cast %get3A_213 : vector<1x16xf32> to vector<16xf32>
          %get3A_215 = arith.index_cast %add3A_211 : i32 to index
          %get3A_216 = arith.constant 0 : index
          %get3A_217 = tpu.vector_load %arg7[%get3A_215, %get3A_216] {strides = array<i32>} : memref<600x32xf32, #tpu.memory_space<vmem>>, vector<1x16xf32>,
          %get3A_218 = vector.shape_cast %get3A_217 : vector<1x16xf32> to vector<16xf32>
          %add3A_219 = arith.addf %get3A_214, %get3A_218 : vector<16xf32>
          %swap3A = arith.index_cast %scan3A_210 : i32 to index
          %swap3A_220 = arith.constant 0 : index
          %swap3A_221 = tpu.vector_load %arg10[%swap3A, %swap3A_220] {strides = array<i32>} : memref<256x32xf32, #tpu.memory_space<vmem>>, vector<1x16xf32>,
          %swap3A_222 = vector.shape_cast %swap3A_221 : vector<1x16xf32> to vector<16xf32>
          %swap3A_223 = vector.shape_cast %add3A_219 : vector<16xf32> to vector<1x16xf32>
          tpu.vector_store %arg10[%swap3A, %swap3A_220], %swap3A_223 {strides = array<i32>} : memref<256x32xf32, #tpu.memory_space<vmem>>, vector<1x16xf32>,
          %get3A_224 = arith.index_cast %scan3A_210 : i32 to index
          %get3A_225 = arith.constant 16 : index
          %get3A_226 = tpu.vector_load %arg10[%get3A_224, %get3A_225] {strides = array<i32>} : memref<256x32xf32, #tpu.memory_space<vmem>>, vector<1x16xf32>,
          %get3A_227 = vector.shape_cast %get3A_226 : vector<1x16xf32> to vector<16xf32>
          %get3A_228 = arith.index_cast %add3A_211 : i32 to index
          %get3A_229 = arith.constant 16 : index
          %get3A_230 = tpu.vector_load %arg7[%get3A_228, %get3A_229] {strides = array<i32>} : memref<600x32xf32, #tpu.memory_space<vmem>>, vector<1x16xf32>,
          %get3A_231 = vector.shape_cast %get3A_230 : vector<1x16xf32> to vector<16xf32>
          %add3A_232 = arith.addf %get3A_227, %get3A_231 : vector<16xf32>
          %swap3A_233 = arith.index_cast %scan3A_210 : i32 to index
          %swap3A_234 = arith.constant 16 : index
          %swap3A_235 = tpu.vector_load %arg10[%swap3A_233, %swap3A_234] {strides = array<i32>} : memref<256x32xf32, #tpu.memory_space<vmem>>, vector<1x16xf32>,
          %swap3A_236 = vector.shape_cast %swap3A_235 : vector<1x16xf32> to vector<16xf32>
          %swap3A_237 = vector.shape_cast %add3A_232 : vector<16xf32> to vector<1x16xf32>
          tpu.vector_store %arg10[%swap3A_233, %swap3A_234], %swap3A_237 {strides = array<i32>} : memref<256x32xf32, #tpu.memory_space<vmem>>, vector<1x16xf32>,
          %scan3A_238 = arith.constant 1 : i32
          %scan3A_239 = arith.addi %scan3A_210, %scan3A_238 : i32
          %add3A_240 = arith.addi %rem3A_197, %scan3A_239 : i32
          %get3A_241 = arith.index_cast %scan3A_239 : i32 to index
          %get3A_242 = arith.constant 0 : index
          %get3A_243 = tpu.vector_load %arg10[%get3A_241, %get3A_242] {strides = array<i32>} : memref<256x32xf32, #tpu.memory_space<vmem>>, vector<1x16xf32>,
          %get3A_244 = vector.shape_cast %get3A_243 : vector<1x16xf32> to vector<16xf32>
          %get3A_245 = arith.index_cast %add3A_240 : i32 to index
          %get3A_246 = arith.constant 0 : index
          %get3A_247 = tpu.vector_load %arg7[%get3A_245, %get3A_246] {strides = array<i32>} : memref<600x32xf32, #tpu.memory_space<vmem>>, vector<1x16xf32>,
          %get3A_248 = vector.shape_cast %get3A_247 : vector<1x16xf32> to vector<16xf32>
          %add3A_249 = arith.addf %get3A_244, %get3A_248 : vector<16xf32>
          %swap3A_250 = arith.index_cast %scan3A_239 : i32 to index
          %swap3A_251 = arith.constant 0 : index
          %swap3A_252 = tpu.vector_load %arg10[%swap3A_250, %swap3A_251] {strides = array<i32>} : memref<256x32xf32, #tpu.memory_space<vmem>>, vector<1x16xf32>,
          %swap3A_253 = vector.shape_cast %swap3A_252 : vector<1x16xf32> to vector<16xf32>
          %swap3A_254 = vector.shape_cast %add3A_249 : vector<16xf32> to vector<1x16xf32>
          tpu.vector_store %arg10[%swap3A_250, %swap3A_251], %swap3A_254 {strides = array<i32>} : memref<256x32xf32, #tpu.memory_space<vmem>>, vector<1x16xf32>,
          %get3A_255 = arith.index_cast %scan3A_239 : i32 to index
          %get3A_256 = arith.constant 16 : index
          %get3A_257 = tpu.vector_load %arg10[%get3A_255, %get3A_256] {strides = array<i32>} : memref<256x32xf32, #tpu.memory_space<vmem>>, vector<1x16xf32>,
          %get3A_258 = vector.shape_cast %get3A_257 : vector<1x16xf32> to vector<16xf32>
          %get3A_259 = arith.index_cast %add3A_240 : i32 to index
          %get3A_260 = arith.constant 16 : index
          %get3A_261 = tpu.vector_load %arg7[%get3A_259, %get3A_260] {strides = array<i32>} : memref<600x32xf32, #tpu.memory_space<vmem>>, vector<1x16xf32>,
          %get3A_262 = vector.shape_cast %get3A_261 : vector<1x16xf32> to vector<16xf32>
          %add3A_263 = arith.addf %get3A_258, %get3A_262 : vector<16xf32>
          %swap3A_264 = arith.index_cast %scan3A_239 : i32 to index
          %swap3A_265 = arith.constant 16 : index
          %swap3A_266 = tpu.vector_load %arg10[%swap3A_264, %swap3A_265] {strides = array<i32>} : memref<256x32xf32, #tpu.memory_space<vmem>>, vector<1x16xf32>,
          %swap3A_267 = vector.shape_cast %swap3A_266 : vector<1x16xf32> to vector<16xf32>
          %swap3A_268 = vector.shape_cast %add3A_263 : vector<16xf32> to vector<1x16xf32>
          tpu.vector_store %arg10[%swap3A_264, %swap3A_265], %swap3A_268 {strides = array<i32>} : memref<256x32xf32, #tpu.memory_space<vmem>>, vector<1x16xf32>,
          %scan3A_269 = arith.constant 2 : i32
          %scan3A_270 = arith.addi %scan3A_210, %scan3A_269 : i32
          %add3A_271 = arith.addi %rem3A_197, %scan3A_270 : i32
          %get3A_272 = arith.index_cast %scan3A_270 : i32 to index
          %get3A_273 = arith.constant 0 : index
          %get3A_274 = tpu.vector_load %arg10[%get3A_272, %get3A_273] {strides = array<i32>} : memref<256x32xf32, #tpu.memory_space<vmem>>, vector<1x16xf32>,
          %get3A_275 = vector.shape_cast %get3A_274 : vector<1x16xf32> to vector<16xf32>
          %get3A_276 = arith.index_cast %add3A_271 : i32 to index
          %get3A_277 = arith.constant 0 : index
          %get3A_278 = tpu.vector_load %arg7[%get3A_276, %get3A_277] {strides = array<i32>} : memref<600x32xf32, #tpu.memory_space<vmem>>, vector<1x16xf32>,
          %get3A_279 = vector.shape_cast %get3A_278 : vector<1x16xf32> to vector<16xf32>
          %add3A_280 = arith.addf %get3A_275, %get3A_279 : vector<16xf32>
          %swap3A_281 = arith.index_cast %scan3A_270 : i32 to index
          %swap3A_282 = arith.constant 0 : index
          %swap3A_283 = tpu.vector_load %arg10[%swap3A_281, %swap3A_282] {strides = array<i32>} : memref<256x32xf32, #tpu.memory_space<vmem>>, vector<1x16xf32>,
          %swap3A_284 = vector.shape_cast %swap3A_283 : vector<1x16xf32> to vector<16xf32>
          %swap3A_285 = vector.shape_cast %add3A_280 : vector<16xf32> to vector<1x16xf32>
          tpu.vector_store %arg10[%swap3A_281, %swap3A_282], %swap3A_285 {strides = array<i32>} : memref<256x32xf32, #tpu.memory_space<vmem>>, vector<1x16xf32>,
          %get3A_286 = arith.index_cast %scan3A_270 : i32 to index
          %get3A_287 = arith.constant 16 : index
          %get3A_288 = tpu.vector_load %arg10[%get3A_286, %get3A_287] {strides = array<i32>} : memref<256x32xf32, #tpu.memory_space<vmem>>, vector<1x16xf32>,
          %get3A_289 = vector.shape_cast %get3A_288 : vector<1x16xf32> to vector<16xf32>
          %get3A_290 = arith.index_cast %add3A_271 : i32 to index
          %get3A_291 = arith.constant 16 : index
          %get3A_292 = tpu.vector_load %arg7[%get3A_290, %get3A_291] {strides = array<i32>} : memref<600x32xf32, #tpu.memory_space<vmem>>, vector<1x16xf32>,
          %get3A_293 = vector.shape_cast %get3A_292 : vector<1x16xf32> to vector<16xf32>
          %add3A_294 = arith.addf %get3A_289, %get3A_293 : vector<16xf32>
          %swap3A_295 = arith.index_cast %scan3A_270 : i32 to index
          %swap3A_296 = arith.constant 16 : index
          %swap3A_297 = tpu.vector_load %arg10[%swap3A_295, %swap3A_296] {strides = array<i32>} : memref<256x32xf32, #tpu.memory_space<vmem>>, vector<1x16xf32>,
          %swap3A_298 = vector.shape_cast %swap3A_297 : vector<1x16xf32> to vector<16xf32>
          %swap3A_299 = vector.shape_cast %add3A_294 : vector<16xf32> to vector<1x16xf32>
          tpu.vector_store %arg10[%swap3A_295, %swap3A_296], %swap3A_299 {strides = array<i32>} : memref<256x32xf32, #tpu.memory_space<vmem>>, vector<1x16xf32>,
          %scan3A_300 = arith.constant 3 : i32
          %scan3A_301 = arith.addi %scan3A_210, %scan3A_300 : i32
          %add3A_302 = arith.addi %rem3A_197, %scan3A_301 : i32
          %get3A_303 = arith.index_cast %scan3A_301 : i32 to index
          %get3A_304 = arith.constant 0 : index
          %get3A_305 = tpu.vector_load %arg10[%get3A_303, %get3A_304] {strides = array<i32>} : memref<256x32xf32, #tpu.memory_space<vmem>>, vector<1x16xf32>,
          %get3A_306 = vector.shape_cast %get3A_305 : vector<1x16xf32> to vector<16xf32>
          %get3A_307 = arith.index_cast %add3A_302 : i32 to index
          %get3A_308 = arith.constant 0 : index
          %get3A_309 = tpu.vector_load %arg7[%get3A_307, %get3A_308] {strides = array<i32>} : memref<600x32xf32, #tpu.memory_space<vmem>>, vector<1x16xf32>,
          %get3A_310 = vector.shape_cast %get3A_309 : vector<1x16xf32> to vector<16xf32>
          %add3A_311 = arith.addf %get3A_306, %get3A_310 : vector<16xf32>
          %swap3A_312 = arith.index_cast %scan3A_301 : i32 to index
          %swap3A_313 = arith.constant 0 : index
          %swap3A_314 = tpu.vector_load %arg10[%swap3A_312, %swap3A_313] {strides = array<i32>} : memref<256x32xf32, #tpu.memory_space<vmem>>, vector<1x16xf32>,
          %swap3A_315 = vector.shape_cast %swap3A_314 : vector<1x16xf32> to vector<16xf32>
          %swap3A_316 = vector.shape_cast %add3A_311 : vector<16xf32> to vector<1x16xf32>
          tpu.vector_store %arg10[%swap3A_312, %swap3A_313], %swap3A_316 {strides = array<i32>} : memref<256x32xf32, #tpu.memory_space<vmem>>, vector<1x16xf32>,
          %get3A_317 = arith.index_cast %scan3A_301 : i32 to index
          %get3A_318 = arith.constant 16 : index
          %get3A_319 = tpu.vector_load %arg10[%get3A_317, %get3A_318] {strides = array<i32>} : memref<256x32xf32, #tpu.memory_space<vmem>>, vector<1x16xf32>,
          %get3A_320 = vector.shape_cast %get3A_319 : vector<1x16xf32> to vector<16xf32>
          %get3A_321 = arith.index_cast %add3A_302 : i32 to index
          %get3A_322 = arith.constant 16 : index
          %get3A_323 = tpu.vector_load %arg7[%get3A_321, %get3A_322] {strides = array<i32>} : memref<600x32xf32, #tpu.memory_space<vmem>>, vector<1x16xf32>,
          %get3A_324 = vector.shape_cast %get3A_323 : vector<1x16xf32> to vector<16xf32>
          %add3A_325 = arith.addf %get3A_320, %get3A_324 : vector<16xf32>
          %swap3A_326 = arith.index_cast %scan3A_301 : i32 to index
          %swap3A_327 = arith.constant 16 : index
          %swap3A_328 = tpu.vector_load %arg10[%swap3A_326, %swap3A_327] {strides = array<i32>} : memref<256x32xf32, #tpu.memory_space<vmem>>, vector<1x16xf32>,
          %swap3A_329 = vector.shape_cast %swap3A_328 : vector<1x16xf32> to vector<16xf32>
          %swap3A_330 = vector.shape_cast %add3A_325 : vector<16xf32> to vector<1x16xf32>
          tpu.vector_store %arg10[%swap3A_326, %swap3A_327], %swap3A_330 {strides = array<i32>} : memref<256x32xf32, #tpu.memory_space<vmem>>, vector<1x16xf32>,
        }
        %scan3A_203 = arith.constant 256 : i32
        %mul3A_204 = arith.constant 256 : i32
        %mul3A_205 = arith.muli %sub3A_45, %mul3A_204 : i32
        %add3A_206 = arith.addi %mul3A_2, %mul3A_205 : i32
        %dma_start3A = arith.constant 0 : i32
        %dma_start3A_207 = tpu.memref_slice %arg5[%add3A_206, %dma_start3A] : memref<819200x32xf32, #tpu.memory_space<hbm>> -> memref<256x32xf32, #tpu.memory_space<hbm>>
        %dma_start3A_208 = arith.constant 0 : i32
        %dma_start3A_209 = tpu.memref_slice %arg5[%add3A_206, %dma_start3A_208] : memref<819200x32xf32, #tpu.memory_space<hbm>> -> memref<256x32xf32, #tpu.memory_space<hbm>>
        tpu.enqueue_dma source(%arg10 : memref<256x32xf32, #tpu.memory_space<vmem>>) target(%dma_start3A_209 : memref<256x32xf32, #tpu.memory_space<hbm>>) target_semaphore(%arg22 : memref<!tpu.dma_semaphore, #tpu.memory_space<semaphore_mem>>)
      } else {
      }
      %add3A_54 = arith.constant 1 : i32
      %add3A_55 = arith.addi %add3A_34, %add3A_54 : i32
      %ge3A_56 = arith.constant 6 : i32
      %ge3A_57 = arith.cmpi sge, %add3A_55, %ge3A_56 : i32
      %lt3A_58 = arith.constant 100 : i32
      %lt3A_59 = arith.cmpi slt, %add3A_55, %lt3A_58 : i32
      %and3A_60 = arith.andi %ge3A_57, %lt3A_59 : i1
      %convert_element_type3A_61 = arith.extui %and3A_60 : i1 to i32
      %cond3A_62 = arith.constant 0 : i32
      %cond3A_63 = arith.cmpi ne, %convert_element_type3A_61, %cond3A_62 : i32
      scf.if %cond3A_63 {
        %dma_wait3A_179 = arith.constant 0 : i32
        %dma_wait3A_180 = tpu.memref_slice %arg5[%mul3A_2, %dma_wait3A_179] : memref<819200x32xf32, #tpu.memory_space<hbm>> -> memref<256x32xf32, #tpu.memory_space<hbm>>
        %dma_wait3A_181 = arith.constant 0 : i32
        %dma_wait3A_182 = tpu.memref_slice %arg5[%mul3A_2, %dma_wait3A_181] : memref<819200x32xf32, #tpu.memory_space<hbm>> -> memref<256x32xf32, #tpu.memory_space<hbm>>
        tpu.wait_dma2 semaphore(%arg21 : memref<!tpu.dma_semaphore, #tpu.memory_space<semaphore_mem>>) src(%arg9 : memref<256x32xf32, #tpu.memory_space<vmem>>) dst(%dma_wait3A_182 : memref<256x32xf32, #tpu.memory_space<hbm>>)
      } else {
      }
      %lt3A_64 = arith.constant 100 : i32
      %lt3A_65 = arith.cmpi slt, %add3A_55, %lt3A_64 : i32
      %convert_element_type3A_66 = arith.extui %lt3A_65 : i1 to i32
      %cond3A_67 = arith.constant 0 : i32
      %cond3A_68 = arith.cmpi ne, %convert_element_type3A_66, %cond3A_67 : i32
      scf.if %cond3A_68 {
        %mul3A_179 = arith.constant 256 : i32
        %mul3A_180 = arith.muli %add3A_55, %mul3A_179 : i32
        %add3A_181 = arith.constant 0 : i32
        %add3A_182 = arith.addi %mul3A_180, %add3A_181 : i32
        %dma_start3A = arith.constant 0 : i32
        %dma_start3A_183 = arith.constant 0 : i32
        %dma_start3A_184 = tpu.memref_slice %arg9[%dma_start3A, %dma_start3A_183] : memref<256x32xf32, #tpu.memory_space<vmem>> -> memref<128x32xf32, #tpu.memory_space<vmem>>
        %dma_start3A_185 = tpu.memref_slice %arg6[%add3A_182] : memref<25600xi32, #tpu.memory_space<vmem>> -> memref<128xi32, #tpu.memory_space<vmem>>
        %dma_start3A_186 = arith.constant 0 : i32
        %dma_start3A_187 = arith.constant 0 : i32
        %dma_start3A_188 = tpu.memref_slice %arg2[%dma_start3A_186, %dma_start3A_187] : memref<1000000x32xf32, #tpu.memory_space<hbm>> -> memref<1000000x32xf32, #tpu.memory_space<hbm>>
        tpu.enqueue_indirect_dma source(%dma_start3A_188 : memref<1000000x32xf32, #tpu.memory_space<hbm>>) target(%dma_start3A_184 : memref<128x32xf32, #tpu.memory_space<vmem>>) offsets(%dma_start3A_185 : memref<128xi32, #tpu.memory_space<vmem>>) semaphore(%arg15 : memref<!tpu.dma_semaphore, #tpu.memory_space<semaphore_mem>>)
        %mul3A_189 = arith.constant 256 : i32
        %mul3A_190 = arith.muli %add3A_55, %mul3A_189 : i32
        %add3A_191 = arith.constant 128 : i32
        %add3A_192 = arith.addi %mul3A_190, %add3A_191 : i32
        %dma_start3A_193 = arith.constant 128 : i32
        %dma_start3A_194 = arith.constant 0 : i32
        %dma_start3A_195 = tpu.memref_slice %arg9[%dma_start3A_193, %dma_start3A_194] : memref<256x32xf32, #tpu.memory_space<vmem>> -> memref<128x32xf32, #tpu.memory_space<vmem>>
        %dma_start3A_196 = tpu.memref_slice %arg6[%add3A_192] : memref<25600xi32, #tpu.memory_space<vmem>> -> memref<128xi32, #tpu.memory_space<vmem>>
        %dma_start3A_197 = arith.constant 0 : i32
        %dma_start3A_198 = arith.constant 0 : i32
        %dma_start3A_199 = tpu.memref_slice %arg2[%dma_start3A_197, %dma_start3A_198] : memref<1000000x32xf32, #tpu.memory_space<hbm>> -> memref<1000000x32xf32, #tpu.memory_space<hbm>>
        tpu.enqueue_indirect_dma source(%dma_start3A_199 : memref<1000000x32xf32, #tpu.memory_space<hbm>>) target(%dma_start3A_195 : memref<128x32xf32, #tpu.memory_space<vmem>>) offsets(%dma_start3A_196 : memref<128xi32, #tpu.memory_space<vmem>>) semaphore(%arg15 : memref<!tpu.dma_semaphore, #tpu.memory_space<semaphore_mem>>)
      } else {
      }
      %sub3A_69 = arith.constant 4 : i32
      %sub3A_70 = arith.subi %add3A_55, %sub3A_69 : i32
      %ge3A_71 = arith.constant 0 : i32
      %ge3A_72 = arith.cmpi sge, %sub3A_70, %ge3A_71 : i32
      %lt3A_73 = arith.constant 100 : i32
      %lt3A_74 = arith.cmpi slt, %sub3A_70, %lt3A_73 : i32
      %and3A_75 = arith.andi %ge3A_72, %lt3A_74 : i1
      %convert_element_type3A_76 = arith.extui %and3A_75 : i1 to i32
      %cond3A_77 = arith.constant 0 : i32
      %cond3A_78 = arith.cmpi ne, %convert_element_type3A_76, %cond3A_77 : i32
      scf.if %cond3A_78 {
        %dma_wait3A_179 = arith.constant 0 : i32
        %dma_wait3A_180 = arith.constant 0 : i32
        %dma_wait3A_181 = tpu.memref_slice %arg11[%dma_wait3A_179, %dma_wait3A_180] : memref<256x32xf32, #tpu.memory_space<vmem>> -> memref<128x32xf32, #tpu.memory_space<vmem>>
        %dma_wait3A_182 = arith.constant 0 : i32
        %dma_wait3A_183 = tpu.memref_slice %arg6[%dma_wait3A_182] : memref<25600xi32, #tpu.memory_space<vmem>> -> memref<128xi32, #tpu.memory_space<vmem>>
        %dma_wait3A_184 = arith.constant 0 : i32
        %dma_wait3A_185 = arith.constant 0 : i32
        %dma_wait3A_186 = tpu.memref_slice %arg2[%dma_wait3A_184, %dma_wait3A_185] : memref<1000000x32xf32, #tpu.memory_space<hbm>> -> memref<1000000x32xf32, #tpu.memory_space<hbm>>
        tpu.wait_indirect_dma semaphore(%arg17 : memref<!tpu.dma_semaphore, #tpu.memory_space<semaphore_mem>>) src(%dma_wait3A_186 : memref<1000000x32xf32, #tpu.memory_space<hbm>>) dst(%dma_wait3A_181 : memref<128x32xf32, #tpu.memory_space<vmem>>)
        %dma_wait3A_187 = arith.constant 128 : i32
        %dma_wait3A_188 = arith.constant 0 : i32
        %dma_wait3A_189 = tpu.memref_slice %arg11[%dma_wait3A_187, %dma_wait3A_188] : memref<256x32xf32, #tpu.memory_space<vmem>> -> memref<128x32xf32, #tpu.memory_space<vmem>>
        %dma_wait3A_190 = arith.constant 128 : i32
        %dma_wait3A_191 = tpu.memref_slice %arg6[%dma_wait3A_190] : memref<25600xi32, #tpu.memory_space<vmem>> -> memref<128xi32, #tpu.memory_space<vmem>>
        %dma_wait3A_192 = arith.constant 0 : i32
        %dma_wait3A_193 = arith.constant 0 : i32
        %dma_wait3A_194 = tpu.memref_slice %arg2[%dma_wait3A_192, %dma_wait3A_193] : memref<1000000x32xf32, #tpu.memory_space<hbm>> -> memref<1000000x32xf32, #tpu.memory_space<hbm>>
        tpu.wait_indirect_dma semaphore(%arg17 : memref<!tpu.dma_semaphore, #tpu.memory_space<semaphore_mem>>) src(%dma_wait3A_194 : memref<1000000x32xf32, #tpu.memory_space<hbm>>) dst(%dma_wait3A_189 : memref<128x32xf32, #tpu.memory_space<vmem>>)
        %mul3A_195 = arith.constant 256 : i32
        %mul3A_196 = arith.muli %sub3A_70, %mul3A_195 : i32
        %rem3A = arith.constant 200 : i32
        %rem3A_197 = arith.remsi %mul3A_196, %rem3A : i32
        %scan3A_198 = arith.constant 0 : i32
        %scan3A_199 = arith.constant 0 : i32
        %scan3A_200 = arith.constant 256 : i32
        %scan3A_201 = arith.addi %scan3A_199, %scan3A_200 : i32
        %scan3A_202 = arith.constant 4 : i32
        scf.for %scan3A_210 = %scan3A_199 to %scan3A_201 step %scan3A_202  : i32 {
          %add3A_211 = arith.addi %rem3A_197, %scan3A_210 : i32
          %get3A = arith.index_cast %scan3A_210 : i32 to index
          %get3A_212 = arith.constant 0 : index
          %get3A_213 = tpu.vector_load %arg11[%get3A, %get3A_212] {strides = array<i32>} : memref<256x32xf32, #tpu.memory_space<vmem>>, vector<1x16xf32>,
          %get3A_214 = vector.shape_cast %get3A_213 : vector<1x16xf32> to vector<16xf32>
          %get3A_215 = arith.index_cast %add3A_211 : i32 to index
          %get3A_216 = arith.constant 0 : index
          %get3A_217 = tpu.vector_load %arg7[%get3A_215, %get3A_216] {strides = array<i32>} : memref<600x32xf32, #tpu.memory_space<vmem>>, vector<1x16xf32>,
          %get3A_218 = vector.shape_cast %get3A_217 : vector<1x16xf32> to vector<16xf32>
          %add3A_219 = arith.addf %get3A_214, %get3A_218 : vector<16xf32>
          %swap3A = arith.index_cast %scan3A_210 : i32 to index
          %swap3A_220 = arith.constant 0 : index
          %swap3A_221 = tpu.vector_load %arg11[%swap3A, %swap3A_220] {strides = array<i32>} : memref<256x32xf32, #tpu.memory_space<vmem>>, vector<1x16xf32>,
          %swap3A_222 = vector.shape_cast %swap3A_221 : vector<1x16xf32> to vector<16xf32>
          %swap3A_223 = vector.shape_cast %add3A_219 : vector<16xf32> to vector<1x16xf32>
          tpu.vector_store %arg11[%swap3A, %swap3A_220], %swap3A_223 {strides = array<i32>} : memref<256x32xf32, #tpu.memory_space<vmem>>, vector<1x16xf32>,
          %get3A_224 = arith.index_cast %scan3A_210 : i32 to index
          %get3A_225 = arith.constant 16 : index
          %get3A_226 = tpu.vector_load %arg11[%get3A_224, %get3A_225] {strides = array<i32>} : memref<256x32xf32, #tpu.memory_space<vmem>>, vector<1x16xf32>,
          %get3A_227 = vector.shape_cast %get3A_226 : vector<1x16xf32> to vector<16xf32>
          %get3A_228 = arith.index_cast %add3A_211 : i32 to index
          %get3A_229 = arith.constant 16 : index
          %get3A_230 = tpu.vector_load %arg7[%get3A_228, %get3A_229] {strides = array<i32>} : memref<600x32xf32, #tpu.memory_space<vmem>>, vector<1x16xf32>,
          %get3A_231 = vector.shape_cast %get3A_230 : vector<1x16xf32> to vector<16xf32>
          %add3A_232 = arith.addf %get3A_227, %get3A_231 : vector<16xf32>
          %swap3A_233 = arith.index_cast %scan3A_210 : i32 to index
          %swap3A_234 = arith.constant 16 : index
          %swap3A_235 = tpu.vector_load %arg11[%swap3A_233, %swap3A_234] {strides = array<i32>} : memref<256x32xf32, #tpu.memory_space<vmem>>, vector<1x16xf32>,
          %swap3A_236 = vector.shape_cast %swap3A_235 : vector<1x16xf32> to vector<16xf32>
          %swap3A_237 = vector.shape_cast %add3A_232 : vector<16xf32> to vector<1x16xf32>
          tpu.vector_store %arg11[%swap3A_233, %swap3A_234], %swap3A_237 {strides = array<i32>} : memref<256x32xf32, #tpu.memory_space<vmem>>, vector<1x16xf32>,
          %scan3A_238 = arith.constant 1 : i32
          %scan3A_239 = arith.addi %scan3A_210, %scan3A_238 : i32
          %add3A_240 = arith.addi %rem3A_197, %scan3A_239 : i32
          %get3A_241 = arith.index_cast %scan3A_239 : i32 to index
          %get3A_242 = arith.constant 0 : index
          %get3A_243 = tpu.vector_load %arg11[%get3A_241, %get3A_242] {strides = array<i32>} : memref<256x32xf32, #tpu.memory_space<vmem>>, vector<1x16xf32>,
          %get3A_244 = vector.shape_cast %get3A_243 : vector<1x16xf32> to vector<16xf32>
          %get3A_245 = arith.index_cast %add3A_240 : i32 to index
          %get3A_246 = arith.constant 0 : index
          %get3A_247 = tpu.vector_load %arg7[%get3A_245, %get3A_246] {strides = array<i32>} : memref<600x32xf32, #tpu.memory_space<vmem>>, vector<1x16xf32>,
          %get3A_248 = vector.shape_cast %get3A_247 : vector<1x16xf32> to vector<16xf32>
          %add3A_249 = arith.addf %get3A_244, %get3A_248 : vector<16xf32>
          %swap3A_250 = arith.index_cast %scan3A_239 : i32 to index
          %swap3A_251 = arith.constant 0 : index
          %swap3A_252 = tpu.vector_load %arg11[%swap3A_250, %swap3A_251] {strides = array<i32>} : memref<256x32xf32, #tpu.memory_space<vmem>>, vector<1x16xf32>,
          %swap3A_253 = vector.shape_cast %swap3A_252 : vector<1x16xf32> to vector<16xf32>
          %swap3A_254 = vector.shape_cast %add3A_249 : vector<16xf32> to vector<1x16xf32>
          tpu.vector_store %arg11[%swap3A_250, %swap3A_251], %swap3A_254 {strides = array<i32>} : memref<256x32xf32, #tpu.memory_space<vmem>>, vector<1x16xf32>,
          %get3A_255 = arith.index_cast %scan3A_239 : i32 to index
          %get3A_256 = arith.constant 16 : index
          %get3A_257 = tpu.vector_load %arg11[%get3A_255, %get3A_256] {strides = array<i32>} : memref<256x32xf32, #tpu.memory_space<vmem>>, vector<1x16xf32>,
          %get3A_258 = vector.shape_cast %get3A_257 : vector<1x16xf32> to vector<16xf32>
          %get3A_259 = arith.index_cast %add3A_240 : i32 to index
          %get3A_260 = arith.constant 16 : index
          %get3A_261 = tpu.vector_load %arg7[%get3A_259, %get3A_260] {strides = array<i32>} : memref<600x32xf32, #tpu.memory_space<vmem>>, vector<1x16xf32>,
          %get3A_262 = vector.shape_cast %get3A_261 : vector<1x16xf32> to vector<16xf32>
          %add3A_263 = arith.addf %get3A_258, %get3A_262 : vector<16xf32>
          %swap3A_264 = arith.index_cast %scan3A_239 : i32 to index
          %swap3A_265 = arith.constant 16 : index
          %swap3A_266 = tpu.vector_load %arg11[%swap3A_264, %swap3A_265] {strides = array<i32>} : memref<256x32xf32, #tpu.memory_space<vmem>>, vector<1x16xf32>,
          %swap3A_267 = vector.shape_cast %swap3A_266 : vector<1x16xf32> to vector<16xf32>
          %swap3A_268 = vector.shape_cast %add3A_263 : vector<16xf32> to vector<1x16xf32>
          tpu.vector_store %arg11[%swap3A_264, %swap3A_265], %swap3A_268 {strides = array<i32>} : memref<256x32xf32, #tpu.memory_space<vmem>>, vector<1x16xf32>,
          %scan3A_269 = arith.constant 2 : i32
          %scan3A_270 = arith.addi %scan3A_210, %scan3A_269 : i32
          %add3A_271 = arith.addi %rem3A_197, %scan3A_270 : i32
          %get3A_272 = arith.index_cast %scan3A_270 : i32 to index
          %get3A_273 = arith.constant 0 : index
          %get3A_274 = tpu.vector_load %arg11[%get3A_272, %get3A_273] {strides = array<i32>} : memref<256x32xf32, #tpu.memory_space<vmem>>, vector<1x16xf32>,
          %get3A_275 = vector.shape_cast %get3A_274 : vector<1x16xf32> to vector<16xf32>
          %get3A_276 = arith.index_cast %add3A_271 : i32 to index
          %get3A_277 = arith.constant 0 : index
          %get3A_278 = tpu.vector_load %arg7[%get3A_276, %get3A_277] {strides = array<i32>} : memref<600x32xf32, #tpu.memory_space<vmem>>, vector<1x16xf32>,
          %get3A_279 = vector.shape_cast %get3A_278 : vector<1x16xf32> to vector<16xf32>
          %add3A_280 = arith.addf %get3A_275, %get3A_279 : vector<16xf32>
          %swap3A_281 = arith.index_cast %scan3A_270 : i32 to index
          %swap3A_282 = arith.constant 0 : index
          %swap3A_283 = tpu.vector_load %arg11[%swap3A_281, %swap3A_282] {strides = array<i32>} : memref<256x32xf32, #tpu.memory_space<vmem>>, vector<1x16xf32>,
          %swap3A_284 = vector.shape_cast %swap3A_283 : vector<1x16xf32> to vector<16xf32>
          %swap3A_285 = vector.shape_cast %add3A_280 : vector<16xf32> to vector<1x16xf32>
          tpu.vector_store %arg11[%swap3A_281, %swap3A_282], %swap3A_285 {strides = array<i32>} : memref<256x32xf32, #tpu.memory_space<vmem>>, vector<1x16xf32>,
          %get3A_286 = arith.index_cast %scan3A_270 : i32 to index
          %get3A_287 = arith.constant 16 : index
          %get3A_288 = tpu.vector_load %arg11[%get3A_286, %get3A_287] {strides = array<i32>} : memref<256x32xf32, #tpu.memory_space<vmem>>, vector<1x16xf32>,
          %get3A_289 = vector.shape_cast %get3A_288 : vector<1x16xf32> to vector<16xf32>
          %get3A_290 = arith.index_cast %add3A_271 : i32 to index
          %get3A_291 = arith.constant 16 : index
          %get3A_292 = tpu.vector_load %arg7[%get3A_290, %get3A_291] {strides = array<i32>} : memref<600x32xf32, #tpu.memory_space<vmem>>, vector<1x16xf32>,
          %get3A_293 = vector.shape_cast %get3A_292 : vector<1x16xf32> to vector<16xf32>
          %add3A_294 = arith.addf %get3A_289, %get3A_293 : vector<16xf32>
          %swap3A_295 = arith.index_cast %scan3A_270 : i32 to index
          %swap3A_296 = arith.constant 16 : index
          %swap3A_297 = tpu.vector_load %arg11[%swap3A_295, %swap3A_296] {strides = array<i32>} : memref<256x32xf32, #tpu.memory_space<vmem>>, vector<1x16xf32>,
          %swap3A_298 = vector.shape_cast %swap3A_297 : vector<1x16xf32> to vector<16xf32>
          %swap3A_299 = vector.shape_cast %add3A_294 : vector<16xf32> to vector<1x16xf32>
          tpu.vector_store %arg11[%swap3A_295, %swap3A_296], %swap3A_299 {strides = array<i32>} : memref<256x32xf32, #tpu.memory_space<vmem>>, vector<1x16xf32>,
          %scan3A_300 = arith.constant 3 : i32
          %scan3A_301 = arith.addi %scan3A_210, %scan3A_300 : i32
          %add3A_302 = arith.addi %rem3A_197, %scan3A_301 : i32
          %get3A_303 = arith.index_cast %scan3A_301 : i32 to index
          %get3A_304 = arith.constant 0 : index
          %get3A_305 = tpu.vector_load %arg11[%get3A_303, %get3A_304] {strides = array<i32>} : memref<256x32xf32, #tpu.memory_space<vmem>>, vector<1x16xf32>,
          %get3A_306 = vector.shape_cast %get3A_305 : vector<1x16xf32> to vector<16xf32>
          %get3A_307 = arith.index_cast %add3A_302 : i32 to index
          %get3A_308 = arith.constant 0 : index
          %get3A_309 = tpu.vector_load %arg7[%get3A_307, %get3A_308] {strides = array<i32>} : memref<600x32xf32, #tpu.memory_space<vmem>>, vector<1x16xf32>,
          %get3A_310 = vector.shape_cast %get3A_309 : vector<1x16xf32> to vector<16xf32>
          %add3A_311 = arith.addf %get3A_306, %get3A_310 : vector<16xf32>
          %swap3A_312 = arith.index_cast %scan3A_301 : i32 to index
          %swap3A_313 = arith.constant 0 : index
          %swap3A_314 = tpu.vector_load %arg11[%swap3A_312, %swap3A_313] {strides = array<i32>} : memref<256x32xf32, #tpu.memory_space<vmem>>, vector<1x16xf32>,
          %swap3A_315 = vector.shape_cast %swap3A_314 : vector<1x16xf32> to vector<16xf32>
          %swap3A_316 = vector.shape_cast %add3A_311 : vector<16xf32> to vector<1x16xf32>
          tpu.vector_store %arg11[%swap3A_312, %swap3A_313], %swap3A_316 {strides = array<i32>} : memref<256x32xf32, #tpu.memory_space<vmem>>, vector<1x16xf32>,
          %get3A_317 = arith.index_cast %scan3A_301 : i32 to index
          %get3A_318 = arith.constant 16 : index
          %get3A_319 = tpu.vector_load %arg11[%get3A_317, %get3A_318] {strides = array<i32>} : memref<256x32xf32, #tpu.memory_space<vmem>>, vector<1x16xf32>,
          %get3A_320 = vector.shape_cast %get3A_319 : vector<1x16xf32> to vector<16xf32>
          %get3A_321 = arith.index_cast %add3A_302 : i32 to index
          %get3A_322 = arith.constant 16 : index
          %get3A_323 = tpu.vector_load %arg7[%get3A_321, %get3A_322] {strides = array<i32>} : memref<600x32xf32, #tpu.memory_space<vmem>>, vector<1x16xf32>,
          %get3A_324 = vector.shape_cast %get3A_323 : vector<1x16xf32> to vector<16xf32>
          %add3A_325 = arith.addf %get3A_320, %get3A_324 : vector<16xf32>
          %swap3A_326 = arith.index_cast %scan3A_301 : i32 to index
          %swap3A_327 = arith.constant 16 : index
          %swap3A_328 = tpu.vector_load %arg11[%swap3A_326, %swap3A_327] {strides = array<i32>} : memref<256x32xf32, #tpu.memory_space<vmem>>, vector<1x16xf32>,
          %swap3A_329 = vector.shape_cast %swap3A_328 : vector<1x16xf32> to vector<16xf32>
          %swap3A_330 = vector.shape_cast %add3A_325 : vector<16xf32> to vector<1x16xf32>
          tpu.vector_store %arg11[%swap3A_326, %swap3A_327], %swap3A_330 {strides = array<i32>} : memref<256x32xf32, #tpu.memory_space<vmem>>, vector<1x16xf32>,
        }
        %scan3A_203 = arith.constant 256 : i32
        %mul3A_204 = arith.constant 256 : i32
        %mul3A_205 = arith.muli %sub3A_70, %mul3A_204 : i32
        %add3A_206 = arith.addi %mul3A_2, %mul3A_205 : i32
        %dma_start3A = arith.constant 0 : i32
        %dma_start3A_207 = tpu.memref_slice %arg5[%add3A_206, %dma_start3A] : memref<819200x32xf32, #tpu.memory_space<hbm>> -> memref<256x32xf32, #tpu.memory_space<hbm>>
        %dma_start3A_208 = arith.constant 0 : i32
        %dma_start3A_209 = tpu.memref_slice %arg5[%add3A_206, %dma_start3A_208] : memref<819200x32xf32, #tpu.memory_space<hbm>> -> memref<256x32xf32, #tpu.memory_space<hbm>>
        tpu.enqueue_dma source(%arg11 : memref<256x32xf32, #tpu.memory_space<vmem>>) target(%dma_start3A_209 : memref<256x32xf32, #tpu.memory_space<hbm>>) target_semaphore(%arg23 : memref<!tpu.dma_semaphore, #tpu.memory_space<semaphore_mem>>)
      } else {
      }
      %add3A_79 = arith.constant 2 : i32
      %add3A_80 = arith.addi %add3A_34, %add3A_79 : i32
      %ge3A_81 = arith.constant 6 : i32
      %ge3A_82 = arith.cmpi sge, %add3A_80, %ge3A_81 : i32
      %lt3A_83 = arith.constant 100 : i32
      %lt3A_84 = arith.cmpi slt, %add3A_80, %lt3A_83 : i32
      %and3A_85 = arith.andi %ge3A_82, %lt3A_84 : i1
      %convert_element_type3A_86 = arith.extui %and3A_85 : i1 to i32
      %cond3A_87 = arith.constant 0 : i32
      %cond3A_88 = arith.cmpi ne, %convert_element_type3A_86, %cond3A_87 : i32
      scf.if %cond3A_88 {
        %dma_wait3A_179 = arith.constant 0 : i32
        %dma_wait3A_180 = tpu.memref_slice %arg5[%mul3A_2, %dma_wait3A_179] : memref<819200x32xf32, #tpu.memory_space<hbm>> -> memref<256x32xf32, #tpu.memory_space<hbm>>
        %dma_wait3A_181 = arith.constant 0 : i32
        %dma_wait3A_182 = tpu.memref_slice %arg5[%mul3A_2, %dma_wait3A_181] : memref<819200x32xf32, #tpu.memory_space<hbm>> -> memref<256x32xf32, #tpu.memory_space<hbm>>
        tpu.wait_dma2 semaphore(%arg22 : memref<!tpu.dma_semaphore, #tpu.memory_space<semaphore_mem>>) src(%arg10 : memref<256x32xf32, #tpu.memory_space<vmem>>) dst(%dma_wait3A_182 : memref<256x32xf32, #tpu.memory_space<hbm>>)
      } else {
      }
      %lt3A_89 = arith.constant 100 : i32
      %lt3A_90 = arith.cmpi slt, %add3A_80, %lt3A_89 : i32
      %convert_element_type3A_91 = arith.extui %lt3A_90 : i1 to i32
      %cond3A_92 = arith.constant 0 : i32
      %cond3A_93 = arith.cmpi ne, %convert_element_type3A_91, %cond3A_92 : i32
      scf.if %cond3A_93 {
        %mul3A_179 = arith.constant 256 : i32
        %mul3A_180 = arith.muli %add3A_80, %mul3A_179 : i32
        %add3A_181 = arith.constant 0 : i32
        %add3A_182 = arith.addi %mul3A_180, %add3A_181 : i32
        %dma_start3A = arith.constant 0 : i32
        %dma_start3A_183 = arith.constant 0 : i32
        %dma_start3A_184 = tpu.memref_slice %arg10[%dma_start3A, %dma_start3A_183] : memref<256x32xf32, #tpu.memory_space<vmem>> -> memref<128x32xf32, #tpu.memory_space<vmem>>
        %dma_start3A_185 = tpu.memref_slice %arg6[%add3A_182] : memref<25600xi32, #tpu.memory_space<vmem>> -> memref<128xi32, #tpu.memory_space<vmem>>
        %dma_start3A_186 = arith.constant 0 : i32
        %dma_start3A_187 = arith.constant 0 : i32
        %dma_start3A_188 = tpu.memref_slice %arg2[%dma_start3A_186, %dma_start3A_187] : memref<1000000x32xf32, #tpu.memory_space<hbm>> -> memref<1000000x32xf32, #tpu.memory_space<hbm>>
        tpu.enqueue_indirect_dma source(%dma_start3A_188 : memref<1000000x32xf32, #tpu.memory_space<hbm>>) target(%dma_start3A_184 : memref<128x32xf32, #tpu.memory_space<vmem>>) offsets(%dma_start3A_185 : memref<128xi32, #tpu.memory_space<vmem>>) semaphore(%arg16 : memref<!tpu.dma_semaphore, #tpu.memory_space<semaphore_mem>>)
        %mul3A_189 = arith.constant 256 : i32
        %mul3A_190 = arith.muli %add3A_80, %mul3A_189 : i32
        %add3A_191 = arith.constant 128 : i32
        %add3A_192 = arith.addi %mul3A_190, %add3A_191 : i32
        %dma_start3A_193 = arith.constant 128 : i32
        %dma_start3A_194 = arith.constant 0 : i32
        %dma_start3A_195 = tpu.memref_slice %arg10[%dma_start3A_193, %dma_start3A_194] : memref<256x32xf32, #tpu.memory_space<vmem>> -> memref<128x32xf32, #tpu.memory_space<vmem>>
        %dma_start3A_196 = tpu.memref_slice %arg6[%add3A_192] : memref<25600xi32, #tpu.memory_space<vmem>> -> memref<128xi32, #tpu.memory_space<vmem>>
        %dma_start3A_197 = arith.constant 0 : i32
        %dma_start3A_198 = arith.constant 0 : i32
        %dma_start3A_199 = tpu.memref_slice %arg2[%dma_start3A_197, %dma_start3A_198] : memref<1000000x32xf32, #tpu.memory_space<hbm>> -> memref<1000000x32xf32, #tpu.memory_space<hbm>>
        tpu.enqueue_indirect_dma source(%dma_start3A_199 : memref<1000000x32xf32, #tpu.memory_space<hbm>>) target(%dma_start3A_195 : memref<128x32xf32, #tpu.memory_space<vmem>>) offsets(%dma_start3A_196 : memref<128xi32, #tpu.memory_space<vmem>>) semaphore(%arg16 : memref<!tpu.dma_semaphore, #tpu.memory_space<semaphore_mem>>)
      } else {
      }
      %sub3A_94 = arith.constant 4 : i32
      %sub3A_95 = arith.subi %add3A_80, %sub3A_94 : i32
      %ge3A_96 = arith.constant 0 : i32
      %ge3A_97 = arith.cmpi sge, %sub3A_95, %ge3A_96 : i32
      %lt3A_98 = arith.constant 100 : i32
      %lt3A_99 = arith.cmpi slt, %sub3A_95, %lt3A_98 : i32
      %and3A_100 = arith.andi %ge3A_97, %lt3A_99 : i1
      %convert_element_type3A_101 = arith.extui %and3A_100 : i1 to i32
      %cond3A_102 = arith.constant 0 : i32
      %cond3A_103 = arith.cmpi ne, %convert_element_type3A_101, %cond3A_102 : i32
      scf.if %cond3A_103 {
        %dma_wait3A_179 = arith.constant 0 : i32
        %dma_wait3A_180 = arith.constant 0 : i32
        %dma_wait3A_181 = tpu.memref_slice %arg12[%dma_wait3A_179, %dma_wait3A_180] : memref<256x32xf32, #tpu.memory_space<vmem>> -> memref<128x32xf32, #tpu.memory_space<vmem>>
        %dma_wait3A_182 = arith.constant 0 : i32
        %dma_wait3A_183 = tpu.memref_slice %arg6[%dma_wait3A_182] : memref<25600xi32, #tpu.memory_space<vmem>> -> memref<128xi32, #tpu.memory_space<vmem>>
        %dma_wait3A_184 = arith.constant 0 : i32
        %dma_wait3A_185 = arith.constant 0 : i32
        %dma_wait3A_186 = tpu.memref_slice %arg2[%dma_wait3A_184, %dma_wait3A_185] : memref<1000000x32xf32, #tpu.memory_space<hbm>> -> memref<1000000x32xf32, #tpu.memory_space<hbm>>
        tpu.wait_indirect_dma semaphore(%arg18 : memref<!tpu.dma_semaphore, #tpu.memory_space<semaphore_mem>>) src(%dma_wait3A_186 : memref<1000000x32xf32, #tpu.memory_space<hbm>>) dst(%dma_wait3A_181 : memref<128x32xf32, #tpu.memory_space<vmem>>)
        %dma_wait3A_187 = arith.constant 128 : i32
        %dma_wait3A_188 = arith.constant 0 : i32
        %dma_wait3A_189 = tpu.memref_slice %arg12[%dma_wait3A_187, %dma_wait3A_188] : memref<256x32xf32, #tpu.memory_space<vmem>> -> memref<128x32xf32, #tpu.memory_space<vmem>>
        %dma_wait3A_190 = arith.constant 128 : i32
        %dma_wait3A_191 = tpu.memref_slice %arg6[%dma_wait3A_190] : memref<25600xi32, #tpu.memory_space<vmem>> -> memref<128xi32, #tpu.memory_space<vmem>>
        %dma_wait3A_192 = arith.constant 0 : i32
        %dma_wait3A_193 = arith.constant 0 : i32
        %dma_wait3A_194 = tpu.memref_slice %arg2[%dma_wait3A_192, %dma_wait3A_193] : memref<1000000x32xf32, #tpu.memory_space<hbm>> -> memref<1000000x32xf32, #tpu.memory_space<hbm>>
        tpu.wait_indirect_dma semaphore(%arg18 : memref<!tpu.dma_semaphore, #tpu.memory_space<semaphore_mem>>) src(%dma_wait3A_194 : memref<1000000x32xf32, #tpu.memory_space<hbm>>) dst(%dma_wait3A_189 : memref<128x32xf32, #tpu.memory_space<vmem>>)
        %mul3A_195 = arith.constant 256 : i32
        %mul3A_196 = arith.muli %sub3A_95, %mul3A_195 : i32
        %rem3A = arith.constant 200 : i32
        %rem3A_197 = arith.remsi %mul3A_196, %rem3A : i32
        %scan3A_198 = arith.constant 0 : i32
        %scan3A_199 = arith.constant 0 : i32
        %scan3A_200 = arith.constant 256 : i32
        %scan3A_201 = arith.addi %scan3A_199, %scan3A_200 : i32
        %scan3A_202 = arith.constant 4 : i32
        scf.for %scan3A_210 = %scan3A_199 to %scan3A_201 step %scan3A_202  : i32 {
          %add3A_211 = arith.addi %rem3A_197, %scan3A_210 : i32
          %get3A = arith.index_cast %scan3A_210 : i32 to index
          %get3A_212 = arith.constant 0 : index
          %get3A_213 = tpu.vector_load %arg12[%get3A, %get3A_212] {strides = array<i32>} : memref<256x32xf32, #tpu.memory_space<vmem>>, vector<1x16xf32>,
          %get3A_214 = vector.shape_cast %get3A_213 : vector<1x16xf32> to vector<16xf32>
          %get3A_215 = arith.index_cast %add3A_211 : i32 to index
          %get3A_216 = arith.constant 0 : index
          %get3A_217 = tpu.vector_load %arg7[%get3A_215, %get3A_216] {strides = array<i32>} : memref<600x32xf32, #tpu.memory_space<vmem>>, vector<1x16xf32>,
          %get3A_218 = vector.shape_cast %get3A_217 : vector<1x16xf32> to vector<16xf32>
          %add3A_219 = arith.addf %get3A_214, %get3A_218 : vector<16xf32>
          %swap3A = arith.index_cast %scan3A_210 : i32 to index
          %swap3A_220 = arith.constant 0 : index
          %swap3A_221 = tpu.vector_load %arg12[%swap3A, %swap3A_220] {strides = array<i32>} : memref<256x32xf32, #tpu.memory_space<vmem>>, vector<1x16xf32>,
          %swap3A_222 = vector.shape_cast %swap3A_221 : vector<1x16xf32> to vector<16xf32>
          %swap3A_223 = vector.shape_cast %add3A_219 : vector<16xf32> to vector<1x16xf32>
          tpu.vector_store %arg12[%swap3A, %swap3A_220], %swap3A_223 {strides = array<i32>} : memref<256x32xf32, #tpu.memory_space<vmem>>, vector<1x16xf32>,
          %get3A_224 = arith.index_cast %scan3A_210 : i32 to index
          %get3A_225 = arith.constant 16 : index
          %get3A_226 = tpu.vector_load %arg12[%get3A_224, %get3A_225] {strides = array<i32>} : memref<256x32xf32, #tpu.memory_space<vmem>>, vector<1x16xf32>,
          %get3A_227 = vector.shape_cast %get3A_226 : vector<1x16xf32> to vector<16xf32>
          %get3A_228 = arith.index_cast %add3A_211 : i32 to index
          %get3A_229 = arith.constant 16 : index
          %get3A_230 = tpu.vector_load %arg7[%get3A_228, %get3A_229] {strides = array<i32>} : memref<600x32xf32, #tpu.memory_space<vmem>>, vector<1x16xf32>,
          %get3A_231 = vector.shape_cast %get3A_230 : vector<1x16xf32> to vector<16xf32>
          %add3A_232 = arith.addf %get3A_227, %get3A_231 : vector<16xf32>
          %swap3A_233 = arith.index_cast %scan3A_210 : i32 to index
          %swap3A_234 = arith.constant 16 : index
          %swap3A_235 = tpu.vector_load %arg12[%swap3A_233, %swap3A_234] {strides = array<i32>} : memref<256x32xf32, #tpu.memory_space<vmem>>, vector<1x16xf32>,
          %swap3A_236 = vector.shape_cast %swap3A_235 : vector<1x16xf32> to vector<16xf32>
          %swap3A_237 = vector.shape_cast %add3A_232 : vector<16xf32> to vector<1x16xf32>
          tpu.vector_store %arg12[%swap3A_233, %swap3A_234], %swap3A_237 {strides = array<i32>} : memref<256x32xf32, #tpu.memory_space<vmem>>, vector<1x16xf32>,
          %scan3A_238 = arith.constant 1 : i32
          %scan3A_239 = arith.addi %scan3A_210, %scan3A_238 : i32
          %add3A_240 = arith.addi %rem3A_197, %scan3A_239 : i32
          %get3A_241 = arith.index_cast %scan3A_239 : i32 to index
          %get3A_242 = arith.constant 0 : index
          %get3A_243 = tpu.vector_load %arg12[%get3A_241, %get3A_242] {strides = array<i32>} : memref<256x32xf32, #tpu.memory_space<vmem>>, vector<1x16xf32>,
          %get3A_244 = vector.shape_cast %get3A_243 : vector<1x16xf32> to vector<16xf32>
          %get3A_245 = arith.index_cast %add3A_240 : i32 to index
          %get3A_246 = arith.constant 0 : index
          %get3A_247 = tpu.vector_load %arg7[%get3A_245, %get3A_246] {strides = array<i32>} : memref<600x32xf32, #tpu.memory_space<vmem>>, vector<1x16xf32>,
          %get3A_248 = vector.shape_cast %get3A_247 : vector<1x16xf32> to vector<16xf32>
          %add3A_249 = arith.addf %get3A_244, %get3A_248 : vector<16xf32>
          %swap3A_250 = arith.index_cast %scan3A_239 : i32 to index
          %swap3A_251 = arith.constant 0 : index
          %swap3A_252 = tpu.vector_load %arg12[%swap3A_250, %swap3A_251] {strides = array<i32>} : memref<256x32xf32, #tpu.memory_space<vmem>>, vector<1x16xf32>,
          %swap3A_253 = vector.shape_cast %swap3A_252 : vector<1x16xf32> to vector<16xf32>
          %swap3A_254 = vector.shape_cast %add3A_249 : vector<16xf32> to vector<1x16xf32>
          tpu.vector_store %arg12[%swap3A_250, %swap3A_251], %swap3A_254 {strides = array<i32>} : memref<256x32xf32, #tpu.memory_space<vmem>>, vector<1x16xf32>,
          %get3A_255 = arith.index_cast %scan3A_239 : i32 to index
          %get3A_256 = arith.constant 16 : index
          %get3A_257 = tpu.vector_load %arg12[%get3A_255, %get3A_256] {strides = array<i32>} : memref<256x32xf32, #tpu.memory_space<vmem>>, vector<1x16xf32>,
          %get3A_258 = vector.shape_cast %get3A_257 : vector<1x16xf32> to vector<16xf32>
          %get3A_259 = arith.index_cast %add3A_240 : i32 to index
          %get3A_260 = arith.constant 16 : index
          %get3A_261 = tpu.vector_load %arg7[%get3A_259, %get3A_260] {strides = array<i32>} : memref<600x32xf32, #tpu.memory_space<vmem>>, vector<1x16xf32>,
          %get3A_262 = vector.shape_cast %get3A_261 : vector<1x16xf32> to vector<16xf32>
          %add3A_263 = arith.addf %get3A_258, %get3A_262 : vector<16xf32>
          %swap3A_264 = arith.index_cast %scan3A_239 : i32 to index
          %swap3A_265 = arith.constant 16 : index
          %swap3A_266 = tpu.vector_load %arg12[%swap3A_264, %swap3A_265] {strides = array<i32>} : memref<256x32xf32, #tpu.memory_space<vmem>>, vector<1x16xf32>,
          %swap3A_267 = vector.shape_cast %swap3A_266 : vector<1x16xf32> to vector<16xf32>
          %swap3A_268 = vector.shape_cast %add3A_263 : vector<16xf32> to vector<1x16xf32>
          tpu.vector_store %arg12[%swap3A_264, %swap3A_265], %swap3A_268 {strides = array<i32>} : memref<256x32xf32, #tpu.memory_space<vmem>>, vector<1x16xf32>,
          %scan3A_269 = arith.constant 2 : i32
          %scan3A_270 = arith.addi %scan3A_210, %scan3A_269 : i32
          %add3A_271 = arith.addi %rem3A_197, %scan3A_270 : i32
          %get3A_272 = arith.index_cast %scan3A_270 : i32 to index
          %get3A_273 = arith.constant 0 : index
          %get3A_274 = tpu.vector_load %arg12[%get3A_272, %get3A_273] {strides = array<i32>} : memref<256x32xf32, #tpu.memory_space<vmem>>, vector<1x16xf32>,
          %get3A_275 = vector.shape_cast %get3A_274 : vector<1x16xf32> to vector<16xf32>
          %get3A_276 = arith.index_cast %add3A_271 : i32 to index
          %get3A_277 = arith.constant 0 : index
          %get3A_278 = tpu.vector_load %arg7[%get3A_276, %get3A_277] {strides = array<i32>} : memref<600x32xf32, #tpu.memory_space<vmem>>, vector<1x16xf32>,
          %get3A_279 = vector.shape_cast %get3A_278 : vector<1x16xf32> to vector<16xf32>
          %add3A_280 = arith.addf %get3A_275, %get3A_279 : vector<16xf32>
          %swap3A_281 = arith.index_cast %scan3A_270 : i32 to index
          %swap3A_282 = arith.constant 0 : index
          %swap3A_283 = tpu.vector_load %arg12[%swap3A_281, %swap3A_282] {strides = array<i32>} : memref<256x32xf32, #tpu.memory_space<vmem>>, vector<1x16xf32>,
          %swap3A_284 = vector.shape_cast %swap3A_283 : vector<1x16xf32> to vector<16xf32>
          %swap3A_285 = vector.shape_cast %add3A_280 : vector<16xf32> to vector<1x16xf32>
          tpu.vector_store %arg12[%swap3A_281, %swap3A_282], %swap3A_285 {strides = array<i32>} : memref<256x32xf32, #tpu.memory_space<vmem>>, vector<1x16xf32>,
          %get3A_286 = arith.index_cast %scan3A_270 : i32 to index
          %get3A_287 = arith.constant 16 : index
          %get3A_288 = tpu.vector_load %arg12[%get3A_286, %get3A_287] {strides = array<i32>} : memref<256x32xf32, #tpu.memory_space<vmem>>, vector<1x16xf32>,
          %get3A_289 = vector.shape_cast %get3A_288 : vector<1x16xf32> to vector<16xf32>
          %get3A_290 = arith.index_cast %add3A_271 : i32 to index
          %get3A_291 = arith.constant 16 : index
          %get3A_292 = tpu.vector_load %arg7[%get3A_290, %get3A_291] {strides = array<i32>} : memref<600x32xf32, #tpu.memory_space<vmem>>, vector<1x16xf32>,
          %get3A_293 = vector.shape_cast %get3A_292 : vector<1x16xf32> to vector<16xf32>
          %add3A_294 = arith.addf %get3A_289, %get3A_293 : vector<16xf32>
          %swap3A_295 = arith.index_cast %scan3A_270 : i32 to index
          %swap3A_296 = arith.constant 16 : index
          %swap3A_297 = tpu.vector_load %arg12[%swap3A_295, %swap3A_296] {strides = array<i32>} : memref<256x32xf32, #tpu.memory_space<vmem>>, vector<1x16xf32>,
          %swap3A_298 = vector.shape_cast %swap3A_297 : vector<1x16xf32> to vector<16xf32>
          %swap3A_299 = vector.shape_cast %add3A_294 : vector<16xf32> to vector<1x16xf32>
          tpu.vector_store %arg12[%swap3A_295, %swap3A_296], %swap3A_299 {strides = array<i32>} : memref<256x32xf32, #tpu.memory_space<vmem>>, vector<1x16xf32>,
          %scan3A_300 = arith.constant 3 : i32
          %scan3A_301 = arith.addi %scan3A_210, %scan3A_300 : i32
          %add3A_302 = arith.addi %rem3A_197, %scan3A_301 : i32
          %get3A_303 = arith.index_cast %scan3A_301 : i32 to index
          %get3A_304 = arith.constant 0 : index
          %get3A_305 = tpu.vector_load %arg12[%get3A_303, %get3A_304] {strides = array<i32>} : memref<256x32xf32, #tpu.memory_space<vmem>>, vector<1x16xf32>,
          %get3A_306 = vector.shape_cast %get3A_305 : vector<1x16xf32> to vector<16xf32>
          %get3A_307 = arith.index_cast %add3A_302 : i32 to index
          %get3A_308 = arith.constant 0 : index
          %get3A_309 = tpu.vector_load %arg7[%get3A_307, %get3A_308] {strides = array<i32>} : memref<600x32xf32, #tpu.memory_space<vmem>>, vector<1x16xf32>,
          %get3A_310 = vector.shape_cast %get3A_309 : vector<1x16xf32> to vector<16xf32>
          %add3A_311 = arith.addf %get3A_306, %get3A_310 : vector<16xf32>
          %swap3A_312 = arith.index_cast %scan3A_301 : i32 to index
          %swap3A_313 = arith.constant 0 : index
          %swap3A_314 = tpu.vector_load %arg12[%swap3A_312, %swap3A_313] {strides = array<i32>} : memref<256x32xf32, #tpu.memory_space<vmem>>, vector<1x16xf32>,
          %swap3A_315 = vector.shape_cast %swap3A_314 : vector<1x16xf32> to vector<16xf32>
          %swap3A_316 = vector.shape_cast %add3A_311 : vector<16xf32> to vector<1x16xf32>
          tpu.vector_store %arg12[%swap3A_312, %swap3A_313], %swap3A_316 {strides = array<i32>} : memref<256x32xf32, #tpu.memory_space<vmem>>, vector<1x16xf32>,
          %get3A_317 = arith.index_cast %scan3A_301 : i32 to index
          %get3A_318 = arith.constant 16 : index
          %get3A_319 = tpu.vector_load %arg12[%get3A_317, %get3A_318] {strides = array<i32>} : memref<256x32xf32, #tpu.memory_space<vmem>>, vector<1x16xf32>,
          %get3A_320 = vector.shape_cast %get3A_319 : vector<1x16xf32> to vector<16xf32>
          %get3A_321 = arith.index_cast %add3A_302 : i32 to index
          %get3A_322 = arith.constant 16 : index
          %get3A_323 = tpu.vector_load %arg7[%get3A_321, %get3A_322] {strides = array<i32>} : memref<600x32xf32, #tpu.memory_space<vmem>>, vector<1x16xf32>,
          %get3A_324 = vector.shape_cast %get3A_323 : vector<1x16xf32> to vector<16xf32>
          %add3A_325 = arith.addf %get3A_320, %get3A_324 : vector<16xf32>
          %swap3A_326 = arith.index_cast %scan3A_301 : i32 to index
          %swap3A_327 = arith.constant 16 : index
          %swap3A_328 = tpu.vector_load %arg12[%swap3A_326, %swap3A_327] {strides = array<i32>} : memref<256x32xf32, #tpu.memory_space<vmem>>, vector<1x16xf32>,
          %swap3A_329 = vector.shape_cast %swap3A_328 : vector<1x16xf32> to vector<16xf32>
          %swap3A_330 = vector.shape_cast %add3A_325 : vector<16xf32> to vector<1x16xf32>
          tpu.vector_store %arg12[%swap3A_326, %swap3A_327], %swap3A_330 {strides = array<i32>} : memref<256x32xf32, #tpu.memory_space<vmem>>, vector<1x16xf32>,
        }
        %scan3A_203 = arith.constant 256 : i32
        %mul3A_204 = arith.constant 256 : i32
        %mul3A_205 = arith.muli %sub3A_95, %mul3A_204 : i32
        %add3A_206 = arith.addi %mul3A_2, %mul3A_205 : i32
        %dma_start3A = arith.constant 0 : i32
        %dma_start3A_207 = tpu.memref_slice %arg5[%add3A_206, %dma_start3A] : memref<819200x32xf32, #tpu.memory_space<hbm>> -> memref<256x32xf32, #tpu.memory_space<hbm>>
        %dma_start3A_208 = arith.constant 0 : i32
        %dma_start3A_209 = tpu.memref_slice %arg5[%add3A_206, %dma_start3A_208] : memref<819200x32xf32, #tpu.memory_space<hbm>> -> memref<256x32xf32, #tpu.memory_space<hbm>>
        tpu.enqueue_dma source(%arg12 : memref<256x32xf32, #tpu.memory_space<vmem>>) target(%dma_start3A_209 : memref<256x32xf32, #tpu.memory_space<hbm>>) target_semaphore(%arg24 : memref<!tpu.dma_semaphore, #tpu.memory_space<semaphore_mem>>)
      } else {
      }
      %add3A_104 = arith.constant 3 : i32
      %add3A_105 = arith.addi %add3A_34, %add3A_104 : i32
      %ge3A_106 = arith.constant 6 : i32
      %ge3A_107 = arith.cmpi sge, %add3A_105, %ge3A_106 : i32
      %lt3A_108 = arith.constant 100 : i32
      %lt3A_109 = arith.cmpi slt, %add3A_105, %lt3A_108 : i32
      %and3A_110 = arith.andi %ge3A_107, %lt3A_109 : i1
      %convert_element_type3A_111 = arith.extui %and3A_110 : i1 to i32
      %cond3A_112 = arith.constant 0 : i32
      %cond3A_113 = arith.cmpi ne, %convert_element_type3A_111, %cond3A_112 : i32
      scf.if %cond3A_113 {
        %dma_wait3A_179 = arith.constant 0 : i32
        %dma_wait3A_180 = tpu.memref_slice %arg5[%mul3A_2, %dma_wait3A_179] : memref<819200x32xf32, #tpu.memory_space<hbm>> -> memref<256x32xf32, #tpu.memory_space<hbm>>
        %dma_wait3A_181 = arith.constant 0 : i32
        %dma_wait3A_182 = tpu.memref_slice %arg5[%mul3A_2, %dma_wait3A_181] : memref<819200x32xf32, #tpu.memory_space<hbm>> -> memref<256x32xf32, #tpu.memory_space<hbm>>
        tpu.wait_dma2 semaphore(%arg23 : memref<!tpu.dma_semaphore, #tpu.memory_space<semaphore_mem>>) src(%arg11 : memref<256x32xf32, #tpu.memory_space<vmem>>) dst(%dma_wait3A_182 : memref<256x32xf32, #tpu.memory_space<hbm>>)
      } else {
      }
      %lt3A_114 = arith.constant 100 : i32
      %lt3A_115 = arith.cmpi slt, %add3A_105, %lt3A_114 : i32
      %convert_element_type3A_116 = arith.extui %lt3A_115 : i1 to i32
      %cond3A_117 = arith.constant 0 : i32
      %cond3A_118 = arith.cmpi ne, %convert_element_type3A_116, %cond3A_117 : i32
      scf.if %cond3A_118 {
        %mul3A_179 = arith.constant 256 : i32
        %mul3A_180 = arith.muli %add3A_105, %mul3A_179 : i32
        %add3A_181 = arith.constant 0 : i32
        %add3A_182 = arith.addi %mul3A_180, %add3A_181 : i32
        %dma_start3A = arith.constant 0 : i32
        %dma_start3A_183 = arith.constant 0 : i32
        %dma_start3A_184 = tpu.memref_slice %arg11[%dma_start3A, %dma_start3A_183] : memref<256x32xf32, #tpu.memory_space<vmem>> -> memref<128x32xf32, #tpu.memory_space<vmem>>
        %dma_start3A_185 = tpu.memref_slice %arg6[%add3A_182] : memref<25600xi32, #tpu.memory_space<vmem>> -> memref<128xi32, #tpu.memory_space<vmem>>
        %dma_start3A_186 = arith.constant 0 : i32
        %dma_start3A_187 = arith.constant 0 : i32
        %dma_start3A_188 = tpu.memref_slice %arg2[%dma_start3A_186, %dma_start3A_187] : memref<1000000x32xf32, #tpu.memory_space<hbm>> -> memref<1000000x32xf32, #tpu.memory_space<hbm>>
        tpu.enqueue_indirect_dma source(%dma_start3A_188 : memref<1000000x32xf32, #tpu.memory_space<hbm>>) target(%dma_start3A_184 : memref<128x32xf32, #tpu.memory_space<vmem>>) offsets(%dma_start3A_185 : memref<128xi32, #tpu.memory_space<vmem>>) semaphore(%arg17 : memref<!tpu.dma_semaphore, #tpu.memory_space<semaphore_mem>>)
        %mul3A_189 = arith.constant 256 : i32
        %mul3A_190 = arith.muli %add3A_105, %mul3A_189 : i32
        %add3A_191 = arith.constant 128 : i32
        %add3A_192 = arith.addi %mul3A_190, %add3A_191 : i32
        %dma_start3A_193 = arith.constant 128 : i32
        %dma_start3A_194 = arith.constant 0 : i32
        %dma_start3A_195 = tpu.memref_slice %arg11[%dma_start3A_193, %dma_start3A_194] : memref<256x32xf32, #tpu.memory_space<vmem>> -> memref<128x32xf32, #tpu.memory_space<vmem>>
        %dma_start3A_196 = tpu.memref_slice %arg6[%add3A_192] : memref<25600xi32, #tpu.memory_space<vmem>> -> memref<128xi32, #tpu.memory_space<vmem>>
        %dma_start3A_197 = arith.constant 0 : i32
        %dma_start3A_198 = arith.constant 0 : i32
        %dma_start3A_199 = tpu.memref_slice %arg2[%dma_start3A_197, %dma_start3A_198] : memref<1000000x32xf32, #tpu.memory_space<hbm>> -> memref<1000000x32xf32, #tpu.memory_space<hbm>>
        tpu.enqueue_indirect_dma source(%dma_start3A_199 : memref<1000000x32xf32, #tpu.memory_space<hbm>>) target(%dma_start3A_195 : memref<128x32xf32, #tpu.memory_space<vmem>>) offsets(%dma_start3A_196 : memref<128xi32, #tpu.memory_space<vmem>>) semaphore(%arg17 : memref<!tpu.dma_semaphore, #tpu.memory_space<semaphore_mem>>)
      } else {
      }
      %sub3A_119 = arith.constant 4 : i32
      %sub3A_120 = arith.subi %add3A_105, %sub3A_119 : i32
      %ge3A_121 = arith.constant 0 : i32
      %ge3A_122 = arith.cmpi sge, %sub3A_120, %ge3A_121 : i32
      %lt3A_123 = arith.constant 100 : i32
      %lt3A_124 = arith.cmpi slt, %sub3A_120, %lt3A_123 : i32
      %and3A_125 = arith.andi %ge3A_122, %lt3A_124 : i1
      %convert_element_type3A_126 = arith.extui %and3A_125 : i1 to i32
      %cond3A_127 = arith.constant 0 : i32
      %cond3A_128 = arith.cmpi ne, %convert_element_type3A_126, %cond3A_127 : i32
      scf.if %cond3A_128 {
        %dma_wait3A_179 = arith.constant 0 : i32
        %dma_wait3A_180 = arith.constant 0 : i32
        %dma_wait3A_181 = tpu.memref_slice %arg13[%dma_wait3A_179, %dma_wait3A_180] : memref<256x32xf32, #tpu.memory_space<vmem>> -> memref<128x32xf32, #tpu.memory_space<vmem>>
        %dma_wait3A_182 = arith.constant 0 : i32
        %dma_wait3A_183 = tpu.memref_slice %arg6[%dma_wait3A_182] : memref<25600xi32, #tpu.memory_space<vmem>> -> memref<128xi32, #tpu.memory_space<vmem>>
        %dma_wait3A_184 = arith.constant 0 : i32
        %dma_wait3A_185 = arith.constant 0 : i32
        %dma_wait3A_186 = tpu.memref_slice %arg2[%dma_wait3A_184, %dma_wait3A_185] : memref<1000000x32xf32, #tpu.memory_space<hbm>> -> memref<1000000x32xf32, #tpu.memory_space<hbm>>
        tpu.wait_indirect_dma semaphore(%arg19 : memref<!tpu.dma_semaphore, #tpu.memory_space<semaphore_mem>>) src(%dma_wait3A_186 : memref<1000000x32xf32, #tpu.memory_space<hbm>>) dst(%dma_wait3A_181 : memref<128x32xf32, #tpu.memory_space<vmem>>)
        %dma_wait3A_187 = arith.constant 128 : i32
        %dma_wait3A_188 = arith.constant 0 : i32
        %dma_wait3A_189 = tpu.memref_slice %arg13[%dma_wait3A_187, %dma_wait3A_188] : memref<256x32xf32, #tpu.memory_space<vmem>> -> memref<128x32xf32, #tpu.memory_space<vmem>>
        %dma_wait3A_190 = arith.constant 128 : i32
        %dma_wait3A_191 = tpu.memref_slice %arg6[%dma_wait3A_190] : memref<25600xi32, #tpu.memory_space<vmem>> -> memref<128xi32, #tpu.memory_space<vmem>>
        %dma_wait3A_192 = arith.constant 0 : i32
        %dma_wait3A_193 = arith.constant 0 : i32
        %dma_wait3A_194 = tpu.memref_slice %arg2[%dma_wait3A_192, %dma_wait3A_193] : memref<1000000x32xf32, #tpu.memory_space<hbm>> -> memref<1000000x32xf32, #tpu.memory_space<hbm>>
        tpu.wait_indirect_dma semaphore(%arg19 : memref<!tpu.dma_semaphore, #tpu.memory_space<semaphore_mem>>) src(%dma_wait3A_194 : memref<1000000x32xf32, #tpu.memory_space<hbm>>) dst(%dma_wait3A_189 : memref<128x32xf32, #tpu.memory_space<vmem>>)
        %mul3A_195 = arith.constant 256 : i32
        %mul3A_196 = arith.muli %sub3A_120, %mul3A_195 : i32
        %rem3A = arith.constant 200 : i32
        %rem3A_197 = arith.remsi %mul3A_196, %rem3A : i32
        %scan3A_198 = arith.constant 0 : i32
        %scan3A_199 = arith.constant 0 : i32
        %scan3A_200 = arith.constant 256 : i32
        %scan3A_201 = arith.addi %scan3A_199, %scan3A_200 : i32
        %scan3A_202 = arith.constant 4 : i32
        scf.for %scan3A_210 = %scan3A_199 to %scan3A_201 step %scan3A_202  : i32 {
          %add3A_211 = arith.addi %rem3A_197, %scan3A_210 : i32
          %get3A = arith.index_cast %scan3A_210 : i32 to index
          %get3A_212 = arith.constant 0 : index
          %get3A_213 = tpu.vector_load %arg13[%get3A, %get3A_212] {strides = array<i32>} : memref<256x32xf32, #tpu.memory_space<vmem>>, vector<1x16xf32>,
          %get3A_214 = vector.shape_cast %get3A_213 : vector<1x16xf32> to vector<16xf32>
          %get3A_215 = arith.index_cast %add3A_211 : i32 to index
          %get3A_216 = arith.constant 0 : index
          %get3A_217 = tpu.vector_load %arg7[%get3A_215, %get3A_216] {strides = array<i32>} : memref<600x32xf32, #tpu.memory_space<vmem>>, vector<1x16xf32>,
          %get3A_218 = vector.shape_cast %get3A_217 : vector<1x16xf32> to vector<16xf32>
          %add3A_219 = arith.addf %get3A_214, %get3A_218 : vector<16xf32>
          %swap3A = arith.index_cast %scan3A_210 : i32 to index
          %swap3A_220 = arith.constant 0 : index
          %swap3A_221 = tpu.vector_load %arg13[%swap3A, %swap3A_220] {strides = array<i32>} : memref<256x32xf32, #tpu.memory_space<vmem>>, vector<1x16xf32>,
          %swap3A_222 = vector.shape_cast %swap3A_221 : vector<1x16xf32> to vector<16xf32>
          %swap3A_223 = vector.shape_cast %add3A_219 : vector<16xf32> to vector<1x16xf32>
          tpu.vector_store %arg13[%swap3A, %swap3A_220], %swap3A_223 {strides = array<i32>} : memref<256x32xf32, #tpu.memory_space<vmem>>, vector<1x16xf32>,
          %get3A_224 = arith.index_cast %scan3A_210 : i32 to index
          %get3A_225 = arith.constant 16 : index
          %get3A_226 = tpu.vector_load %arg13[%get3A_224, %get3A_225] {strides = array<i32>} : memref<256x32xf32, #tpu.memory_space<vmem>>, vector<1x16xf32>,
          %get3A_227 = vector.shape_cast %get3A_226 : vector<1x16xf32> to vector<16xf32>
          %get3A_228 = arith.index_cast %add3A_211 : i32 to index
          %get3A_229 = arith.constant 16 : index
          %get3A_230 = tpu.vector_load %arg7[%get3A_228, %get3A_229] {strides = array<i32>} : memref<600x32xf32, #tpu.memory_space<vmem>>, vector<1x16xf32>,
          %get3A_231 = vector.shape_cast %get3A_230 : vector<1x16xf32> to vector<16xf32>
          %add3A_232 = arith.addf %get3A_227, %get3A_231 : vector<16xf32>
          %swap3A_233 = arith.index_cast %scan3A_210 : i32 to index
          %swap3A_234 = arith.constant 16 : index
          %swap3A_235 = tpu.vector_load %arg13[%swap3A_233, %swap3A_234] {strides = array<i32>} : memref<256x32xf32, #tpu.memory_space<vmem>>, vector<1x16xf32>,
          %swap3A_236 = vector.shape_cast %swap3A_235 : vector<1x16xf32> to vector<16xf32>
          %swap3A_237 = vector.shape_cast %add3A_232 : vector<16xf32> to vector<1x16xf32>
          tpu.vector_store %arg13[%swap3A_233, %swap3A_234], %swap3A_237 {strides = array<i32>} : memref<256x32xf32, #tpu.memory_space<vmem>>, vector<1x16xf32>,
          %scan3A_238 = arith.constant 1 : i32
          %scan3A_239 = arith.addi %scan3A_210, %scan3A_238 : i32
          %add3A_240 = arith.addi %rem3A_197, %scan3A_239 : i32
          %get3A_241 = arith.index_cast %scan3A_239 : i32 to index
          %get3A_242 = arith.constant 0 : index
          %get3A_243 = tpu.vector_load %arg13[%get3A_241, %get3A_242] {strides = array<i32>} : memref<256x32xf32, #tpu.memory_space<vmem>>, vector<1x16xf32>,
          %get3A_244 = vector.shape_cast %get3A_243 : vector<1x16xf32> to vector<16xf32>
          %get3A_245 = arith.index_cast %add3A_240 : i32 to index
          %get3A_246 = arith.constant 0 : index
          %get3A_247 = tpu.vector_load %arg7[%get3A_245, %get3A_246] {strides = array<i32>} : memref<600x32xf32, #tpu.memory_space<vmem>>, vector<1x16xf32>,
          %get3A_248 = vector.shape_cast %get3A_247 : vector<1x16xf32> to vector<16xf32>
          %add3A_249 = arith.addf %get3A_244, %get3A_248 : vector<16xf32>
          %swap3A_250 = arith.index_cast %scan3A_239 : i32 to index
          %swap3A_251 = arith.constant 0 : index
          %swap3A_252 = tpu.vector_load %arg13[%swap3A_250, %swap3A_251] {strides = array<i32>} : memref<256x32xf32, #tpu.memory_space<vmem>>, vector<1x16xf32>,
          %swap3A_253 = vector.shape_cast %swap3A_252 : vector<1x16xf32> to vector<16xf32>
          %swap3A_254 = vector.shape_cast %add3A_249 : vector<16xf32> to vector<1x16xf32>
          tpu.vector_store %arg13[%swap3A_250, %swap3A_251], %swap3A_254 {strides = array<i32>} : memref<256x32xf32, #tpu.memory_space<vmem>>, vector<1x16xf32>,
          %get3A_255 = arith.index_cast %scan3A_239 : i32 to index
          %get3A_256 = arith.constant 16 : index
          %get3A_257 = tpu.vector_load %arg13[%get3A_255, %get3A_256] {strides = array<i32>} : memref<256x32xf32, #tpu.memory_space<vmem>>, vector<1x16xf32>,
          %get3A_258 = vector.shape_cast %get3A_257 : vector<1x16xf32> to vector<16xf32>
          %get3A_259 = arith.index_cast %add3A_240 : i32 to index
          %get3A_260 = arith.constant 16 : index
          %get3A_261 = tpu.vector_load %arg7[%get3A_259, %get3A_260] {strides = array<i32>} : memref<600x32xf32, #tpu.memory_space<vmem>>, vector<1x16xf32>,
          %get3A_262 = vector.shape_cast %get3A_261 : vector<1x16xf32> to vector<16xf32>
          %add3A_263 = arith.addf %get3A_258, %get3A_262 : vector<16xf32>
          %swap3A_264 = arith.index_cast %scan3A_239 : i32 to index
          %swap3A_265 = arith.constant 16 : index
          %swap3A_266 = tpu.vector_load %arg13[%swap3A_264, %swap3A_265] {strides = array<i32>} : memref<256x32xf32, #tpu.memory_space<vmem>>, vector<1x16xf32>,
          %swap3A_267 = vector.shape_cast %swap3A_266 : vector<1x16xf32> to vector<16xf32>
          %swap3A_268 = vector.shape_cast %add3A_263 : vector<16xf32> to vector<1x16xf32>
          tpu.vector_store %arg13[%swap3A_264, %swap3A_265], %swap3A_268 {strides = array<i32>} : memref<256x32xf32, #tpu.memory_space<vmem>>, vector<1x16xf32>,
          %scan3A_269 = arith.constant 2 : i32
          %scan3A_270 = arith.addi %scan3A_210, %scan3A_269 : i32
          %add3A_271 = arith.addi %rem3A_197, %scan3A_270 : i32
          %get3A_272 = arith.index_cast %scan3A_270 : i32 to index
          %get3A_273 = arith.constant 0 : index
          %get3A_274 = tpu.vector_load %arg13[%get3A_272, %get3A_273] {strides = array<i32>} : memref<256x32xf32, #tpu.memory_space<vmem>>, vector<1x16xf32>,
          %get3A_275 = vector.shape_cast %get3A_274 : vector<1x16xf32> to vector<16xf32>
          %get3A_276 = arith.index_cast %add3A_271 : i32 to index
          %get3A_277 = arith.constant 0 : index
          %get3A_278 = tpu.vector_load %arg7[%get3A_276, %get3A_277] {strides = array<i32>} : memref<600x32xf32, #tpu.memory_space<vmem>>, vector<1x16xf32>,
          %get3A_279 = vector.shape_cast %get3A_278 : vector<1x16xf32> to vector<16xf32>
          %add3A_280 = arith.addf %get3A_275, %get3A_279 : vector<16xf32>
          %swap3A_281 = arith.index_cast %scan3A_270 : i32 to index
          %swap3A_282 = arith.constant 0 : index
          %swap3A_283 = tpu.vector_load %arg13[%swap3A_281, %swap3A_282] {strides = array<i32>} : memref<256x32xf32, #tpu.memory_space<vmem>>, vector<1x16xf32>,
          %swap3A_284 = vector.shape_cast %swap3A_283 : vector<1x16xf32> to vector<16xf32>
          %swap3A_285 = vector.shape_cast %add3A_280 : vector<16xf32> to vector<1x16xf32>
          tpu.vector_store %arg13[%swap3A_281, %swap3A_282], %swap3A_285 {strides = array<i32>} : memref<256x32xf32, #tpu.memory_space<vmem>>, vector<1x16xf32>,
          %get3A_286 = arith.index_cast %scan3A_270 : i32 to index
          %get3A_287 = arith.constant 16 : index
          %get3A_288 = tpu.vector_load %arg13[%get3A_286, %get3A_287] {strides = array<i32>} : memref<256x32xf32, #tpu.memory_space<vmem>>, vector<1x16xf32>,
          %get3A_289 = vector.shape_cast %get3A_288 : vector<1x16xf32> to vector<16xf32>
          %get3A_290 = arith.index_cast %add3A_271 : i32 to index
          %get3A_291 = arith.constant 16 : index
          %get3A_292 = tpu.vector_load %arg7[%get3A_290, %get3A_291] {strides = array<i32>} : memref<600x32xf32, #tpu.memory_space<vmem>>, vector<1x16xf32>,
          %get3A_293 = vector.shape_cast %get3A_292 : vector<1x16xf32> to vector<16xf32>
          %add3A_294 = arith.addf %get3A_289, %get3A_293 : vector<16xf32>
          %swap3A_295 = arith.index_cast %scan3A_270 : i32 to index
          %swap3A_296 = arith.constant 16 : index
          %swap3A_297 = tpu.vector_load %arg13[%swap3A_295, %swap3A_296] {strides = array<i32>} : memref<256x32xf32, #tpu.memory_space<vmem>>, vector<1x16xf32>,
          %swap3A_298 = vector.shape_cast %swap3A_297 : vector<1x16xf32> to vector<16xf32>
          %swap3A_299 = vector.shape_cast %add3A_294 : vector<16xf32> to vector<1x16xf32>
          tpu.vector_store %arg13[%swap3A_295, %swap3A_296], %swap3A_299 {strides = array<i32>} : memref<256x32xf32, #tpu.memory_space<vmem>>, vector<1x16xf32>,
          %scan3A_300 = arith.constant 3 : i32
          %scan3A_301 = arith.addi %scan3A_210, %scan3A_300 : i32
          %add3A_302 = arith.addi %rem3A_197, %scan3A_301 : i32
          %get3A_303 = arith.index_cast %scan3A_301 : i32 to index
          %get3A_304 = arith.constant 0 : index
          %get3A_305 = tpu.vector_load %arg13[%get3A_303, %get3A_304] {strides = array<i32>} : memref<256x32xf32, #tpu.memory_space<vmem>>, vector<1x16xf32>,
          %get3A_306 = vector.shape_cast %get3A_305 : vector<1x16xf32> to vector<16xf32>
          %get3A_307 = arith.index_cast %add3A_302 : i32 to index
          %get3A_308 = arith.constant 0 : index
          %get3A_309 = tpu.vector_load %arg7[%get3A_307, %get3A_308] {strides = array<i32>} : memref<600x32xf32, #tpu.memory_space<vmem>>, vector<1x16xf32>,
          %get3A_310 = vector.shape_cast %get3A_309 : vector<1x16xf32> to vector<16xf32>
          %add3A_311 = arith.addf %get3A_306, %get3A_310 : vector<16xf32>
          %swap3A_312 = arith.index_cast %scan3A_301 : i32 to index
          %swap3A_313 = arith.constant 0 : index
          %swap3A_314 = tpu.vector_load %arg13[%swap3A_312, %swap3A_313] {strides = array<i32>} : memref<256x32xf32, #tpu.memory_space<vmem>>, vector<1x16xf32>,
          %swap3A_315 = vector.shape_cast %swap3A_314 : vector<1x16xf32> to vector<16xf32>
          %swap3A_316 = vector.shape_cast %add3A_311 : vector<16xf32> to vector<1x16xf32>
          tpu.vector_store %arg13[%swap3A_312, %swap3A_313], %swap3A_316 {strides = array<i32>} : memref<256x32xf32, #tpu.memory_space<vmem>>, vector<1x16xf32>,
          %get3A_317 = arith.index_cast %scan3A_301 : i32 to index
          %get3A_318 = arith.constant 16 : index
          %get3A_319 = tpu.vector_load %arg13[%get3A_317, %get3A_318] {strides = array<i32>} : memref<256x32xf32, #tpu.memory_space<vmem>>, vector<1x16xf32>,
          %get3A_320 = vector.shape_cast %get3A_319 : vector<1x16xf32> to vector<16xf32>
          %get3A_321 = arith.index_cast %add3A_302 : i32 to index
          %get3A_322 = arith.constant 16 : index
          %get3A_323 = tpu.vector_load %arg7[%get3A_321, %get3A_322] {strides = array<i32>} : memref<600x32xf32, #tpu.memory_space<vmem>>, vector<1x16xf32>,
          %get3A_324 = vector.shape_cast %get3A_323 : vector<1x16xf32> to vector<16xf32>
          %add3A_325 = arith.addf %get3A_320, %get3A_324 : vector<16xf32>
          %swap3A_326 = arith.index_cast %scan3A_301 : i32 to index
          %swap3A_327 = arith.constant 16 : index
          %swap3A_328 = tpu.vector_load %arg13[%swap3A_326, %swap3A_327] {strides = array<i32>} : memref<256x32xf32, #tpu.memory_space<vmem>>, vector<1x16xf32>,
          %swap3A_329 = vector.shape_cast %swap3A_328 : vector<1x16xf32> to vector<16xf32>
          %swap3A_330 = vector.shape_cast %add3A_325 : vector<16xf32> to vector<1x16xf32>
          tpu.vector_store %arg13[%swap3A_326, %swap3A_327], %swap3A_330 {strides = array<i32>} : memref<256x32xf32, #tpu.memory_space<vmem>>, vector<1x16xf32>,
        }
        %scan3A_203 = arith.constant 256 : i32
        %mul3A_204 = arith.constant 256 : i32
        %mul3A_205 = arith.muli %sub3A_120, %mul3A_204 : i32
        %add3A_206 = arith.addi %mul3A_2, %mul3A_205 : i32
        %dma_start3A = arith.constant 0 : i32
        %dma_start3A_207 = tpu.memref_slice %arg5[%add3A_206, %dma_start3A] : memref<819200x32xf32, #tpu.memory_space<hbm>> -> memref<256x32xf32, #tpu.memory_space<hbm>>
        %dma_start3A_208 = arith.constant 0 : i32
        %dma_start3A_209 = tpu.memref_slice %arg5[%add3A_206, %dma_start3A_208] : memref<819200x32xf32, #tpu.memory_space<hbm>> -> memref<256x32xf32, #tpu.memory_space<hbm>>
        tpu.enqueue_dma source(%arg13 : memref<256x32xf32, #tpu.memory_space<vmem>>) target(%dma_start3A_209 : memref<256x32xf32, #tpu.memory_space<hbm>>) target_semaphore(%arg25 : memref<!tpu.dma_semaphore, #tpu.memory_space<semaphore_mem>>)
      } else {
      }
      %add3A_129 = arith.constant 4 : i32
      %add3A_130 = arith.addi %add3A_34, %add3A_129 : i32
      %ge3A_131 = arith.constant 6 : i32
      %ge3A_132 = arith.cmpi sge, %add3A_130, %ge3A_131 : i32
      %lt3A_133 = arith.constant 100 : i32
      %lt3A_134 = arith.cmpi slt, %add3A_130, %lt3A_133 : i32
      %and3A_135 = arith.andi %ge3A_132, %lt3A_134 : i1
      %convert_element_type3A_136 = arith.extui %and3A_135 : i1 to i32
      %cond3A_137 = arith.constant 0 : i32
      %cond3A_138 = arith.cmpi ne, %convert_element_type3A_136, %cond3A_137 : i32
      scf.if %cond3A_138 {
        %dma_wait3A_179 = arith.constant 0 : i32
        %dma_wait3A_180 = tpu.memref_slice %arg5[%mul3A_2, %dma_wait3A_179] : memref<819200x32xf32, #tpu.memory_space<hbm>> -> memref<256x32xf32, #tpu.memory_space<hbm>>
        %dma_wait3A_181 = arith.constant 0 : i32
        %dma_wait3A_182 = tpu.memref_slice %arg5[%mul3A_2, %dma_wait3A_181] : memref<819200x32xf32, #tpu.memory_space<hbm>> -> memref<256x32xf32, #tpu.memory_space<hbm>>
        tpu.wait_dma2 semaphore(%arg24 : memref<!tpu.dma_semaphore, #tpu.memory_space<semaphore_mem>>) src(%arg12 : memref<256x32xf32, #tpu.memory_space<vmem>>) dst(%dma_wait3A_182 : memref<256x32xf32, #tpu.memory_space<hbm>>)
      } else {
      }
      %lt3A_139 = arith.constant 100 : i32
      %lt3A_140 = arith.cmpi slt, %add3A_130, %lt3A_139 : i32
      %convert_element_type3A_141 = arith.extui %lt3A_140 : i1 to i32
      %cond3A_142 = arith.constant 0 : i32
      %cond3A_143 = arith.cmpi ne, %convert_element_type3A_141, %cond3A_142 : i32
      scf.if %cond3A_143 {
        %mul3A_179 = arith.constant 256 : i32
        %mul3A_180 = arith.muli %add3A_130, %mul3A_179 : i32
        %add3A_181 = arith.constant 0 : i32
        %add3A_182 = arith.addi %mul3A_180, %add3A_181 : i32
        %dma_start3A = arith.constant 0 : i32
        %dma_start3A_183 = arith.constant 0 : i32
        %dma_start3A_184 = tpu.memref_slice %arg12[%dma_start3A, %dma_start3A_183] : memref<256x32xf32, #tpu.memory_space<vmem>> -> memref<128x32xf32, #tpu.memory_space<vmem>>
        %dma_start3A_185 = tpu.memref_slice %arg6[%add3A_182] : memref<25600xi32, #tpu.memory_space<vmem>> -> memref<128xi32, #tpu.memory_space<vmem>>
        %dma_start3A_186 = arith.constant 0 : i32
        %dma_start3A_187 = arith.constant 0 : i32
        %dma_start3A_188 = tpu.memref_slice %arg2[%dma_start3A_186, %dma_start3A_187] : memref<1000000x32xf32, #tpu.memory_space<hbm>> -> memref<1000000x32xf32, #tpu.memory_space<hbm>>
        tpu.enqueue_indirect_dma source(%dma_start3A_188 : memref<1000000x32xf32, #tpu.memory_space<hbm>>) target(%dma_start3A_184 : memref<128x32xf32, #tpu.memory_space<vmem>>) offsets(%dma_start3A_185 : memref<128xi32, #tpu.memory_space<vmem>>) semaphore(%arg18 : memref<!tpu.dma_semaphore, #tpu.memory_space<semaphore_mem>>)
        %mul3A_189 = arith.constant 256 : i32
        %mul3A_190 = arith.muli %add3A_130, %mul3A_189 : i32
        %add3A_191 = arith.constant 128 : i32
        %add3A_192 = arith.addi %mul3A_190, %add3A_191 : i32
        %dma_start3A_193 = arith.constant 128 : i32
        %dma_start3A_194 = arith.constant 0 : i32
        %dma_start3A_195 = tpu.memref_slice %arg12[%dma_start3A_193, %dma_start3A_194] : memref<256x32xf32, #tpu.memory_space<vmem>> -> memref<128x32xf32, #tpu.memory_space<vmem>>
        %dma_start3A_196 = tpu.memref_slice %arg6[%add3A_192] : memref<25600xi32, #tpu.memory_space<vmem>> -> memref<128xi32, #tpu.memory_space<vmem>>
        %dma_start3A_197 = arith.constant 0 : i32
        %dma_start3A_198 = arith.constant 0 : i32
        %dma_start3A_199 = tpu.memref_slice %arg2[%dma_start3A_197, %dma_start3A_198] : memref<1000000x32xf32, #tpu.memory_space<hbm>> -> memref<1000000x32xf32, #tpu.memory_space<hbm>>
        tpu.enqueue_indirect_dma source(%dma_start3A_199 : memref<1000000x32xf32, #tpu.memory_space<hbm>>) target(%dma_start3A_195 : memref<128x32xf32, #tpu.memory_space<vmem>>) offsets(%dma_start3A_196 : memref<128xi32, #tpu.memory_space<vmem>>) semaphore(%arg18 : memref<!tpu.dma_semaphore, #tpu.memory_space<semaphore_mem>>)
      } else {
      }
      %sub3A_144 = arith.constant 4 : i32
      %sub3A_145 = arith.subi %add3A_130, %sub3A_144 : i32
      %ge3A_146 = arith.constant 0 : i32
      %ge3A_147 = arith.cmpi sge, %sub3A_145, %ge3A_146 : i32
      %lt3A_148 = arith.constant 100 : i32
      %lt3A_149 = arith.cmpi slt, %sub3A_145, %lt3A_148 : i32
      %and3A_150 = arith.andi %ge3A_147, %lt3A_149 : i1
      %convert_element_type3A_151 = arith.extui %and3A_150 : i1 to i32
      %cond3A_152 = arith.constant 0 : i32
      %cond3A_153 = arith.cmpi ne, %convert_element_type3A_151, %cond3A_152 : i32
      scf.if %cond3A_153 {
        %dma_wait3A_179 = arith.constant 0 : i32
        %dma_wait3A_180 = arith.constant 0 : i32
        %dma_wait3A_181 = tpu.memref_slice %arg8[%dma_wait3A_179, %dma_wait3A_180] : memref<256x32xf32, #tpu.memory_space<vmem>> -> memref<128x32xf32, #tpu.memory_space<vmem>>
        %dma_wait3A_182 = arith.constant 0 : i32
        %dma_wait3A_183 = tpu.memref_slice %arg6[%dma_wait3A_182] : memref<25600xi32, #tpu.memory_space<vmem>> -> memref<128xi32, #tpu.memory_space<vmem>>
        %dma_wait3A_184 = arith.constant 0 : i32
        %dma_wait3A_185 = arith.constant 0 : i32
        %dma_wait3A_186 = tpu.memref_slice %arg2[%dma_wait3A_184, %dma_wait3A_185] : memref<1000000x32xf32, #tpu.memory_space<hbm>> -> memref<1000000x32xf32, #tpu.memory_space<hbm>>
        tpu.wait_indirect_dma semaphore(%arg14 : memref<!tpu.dma_semaphore, #tpu.memory_space<semaphore_mem>>) src(%dma_wait3A_186 : memref<1000000x32xf32, #tpu.memory_space<hbm>>) dst(%dma_wait3A_181 : memref<128x32xf32, #tpu.memory_space<vmem>>)
        %dma_wait3A_187 = arith.constant 128 : i32
        %dma_wait3A_188 = arith.constant 0 : i32
        %dma_wait3A_189 = tpu.memref_slice %arg8[%dma_wait3A_187, %dma_wait3A_188] : memref<256x32xf32, #tpu.memory_space<vmem>> -> memref<128x32xf32, #tpu.memory_space<vmem>>
        %dma_wait3A_190 = arith.constant 128 : i32
        %dma_wait3A_191 = tpu.memref_slice %arg6[%dma_wait3A_190] : memref<25600xi32, #tpu.memory_space<vmem>> -> memref<128xi32, #tpu.memory_space<vmem>>
        %dma_wait3A_192 = arith.constant 0 : i32
        %dma_wait3A_193 = arith.constant 0 : i32
        %dma_wait3A_194 = tpu.memref_slice %arg2[%dma_wait3A_192, %dma_wait3A_193] : memref<1000000x32xf32, #tpu.memory_space<hbm>> -> memref<1000000x32xf32, #tpu.memory_space<hbm>>
        tpu.wait_indirect_dma semaphore(%arg14 : memref<!tpu.dma_semaphore, #tpu.memory_space<semaphore_mem>>) src(%dma_wait3A_194 : memref<1000000x32xf32, #tpu.memory_space<hbm>>) dst(%dma_wait3A_189 : memref<128x32xf32, #tpu.memory_space<vmem>>)
        %mul3A_195 = arith.constant 256 : i32
        %mul3A_196 = arith.muli %sub3A_145, %mul3A_195 : i32
        %rem3A = arith.constant 200 : i32
        %rem3A_197 = arith.remsi %mul3A_196, %rem3A : i32
        %scan3A_198 = arith.constant 0 : i32
        %scan3A_199 = arith.constant 0 : i32
        %scan3A_200 = arith.constant 256 : i32
        %scan3A_201 = arith.addi %scan3A_199, %scan3A_200 : i32
        %scan3A_202 = arith.constant 4 : i32
        scf.for %scan3A_210 = %scan3A_199 to %scan3A_201 step %scan3A_202  : i32 {
          %add3A_211 = arith.addi %rem3A_197, %scan3A_210 : i32
          %get3A = arith.index_cast %scan3A_210 : i32 to index
          %get3A_212 = arith.constant 0 : index
          %get3A_213 = tpu.vector_load %arg8[%get3A, %get3A_212] {strides = array<i32>} : memref<256x32xf32, #tpu.memory_space<vmem>>, vector<1x16xf32>,
          %get3A_214 = vector.shape_cast %get3A_213 : vector<1x16xf32> to vector<16xf32>
          %get3A_215 = arith.index_cast %add3A_211 : i32 to index
          %get3A_216 = arith.constant 0 : index
          %get3A_217 = tpu.vector_load %arg7[%get3A_215, %get3A_216] {strides = array<i32>} : memref<600x32xf32, #tpu.memory_space<vmem>>, vector<1x16xf32>,
          %get3A_218 = vector.shape_cast %get3A_217 : vector<1x16xf32> to vector<16xf32>
          %add3A_219 = arith.addf %get3A_214, %get3A_218 : vector<16xf32>
          %swap3A = arith.index_cast %scan3A_210 : i32 to index
          %swap3A_220 = arith.constant 0 : index
          %swap3A_221 = tpu.vector_load %arg8[%swap3A, %swap3A_220] {strides = array<i32>} : memref<256x32xf32, #tpu.memory_space<vmem>>, vector<1x16xf32>,
          %swap3A_222 = vector.shape_cast %swap3A_221 : vector<1x16xf32> to vector<16xf32>
          %swap3A_223 = vector.shape_cast %add3A_219 : vector<16xf32> to vector<1x16xf32>
          tpu.vector_store %arg8[%swap3A, %swap3A_220], %swap3A_223 {strides = array<i32>} : memref<256x32xf32, #tpu.memory_space<vmem>>, vector<1x16xf32>,
          %get3A_224 = arith.index_cast %scan3A_210 : i32 to index
          %get3A_225 = arith.constant 16 : index
          %get3A_226 = tpu.vector_load %arg8[%get3A_224, %get3A_225] {strides = array<i32>} : memref<256x32xf32, #tpu.memory_space<vmem>>, vector<1x16xf32>,
          %get3A_227 = vector.shape_cast %get3A_226 : vector<1x16xf32> to vector<16xf32>
          %get3A_228 = arith.index_cast %add3A_211 : i32 to index
          %get3A_229 = arith.constant 16 : index
          %get3A_230 = tpu.vector_load %arg7[%get3A_228, %get3A_229] {strides = array<i32>} : memref<600x32xf32, #tpu.memory_space<vmem>>, vector<1x16xf32>,
          %get3A_231 = vector.shape_cast %get3A_230 : vector<1x16xf32> to vector<16xf32>
          %add3A_232 = arith.addf %get3A_227, %get3A_231 : vector<16xf32>
          %swap3A_233 = arith.index_cast %scan3A_210 : i32 to index
          %swap3A_234 = arith.constant 16 : index
          %swap3A_235 = tpu.vector_load %arg8[%swap3A_233, %swap3A_234] {strides = array<i32>} : memref<256x32xf32, #tpu.memory_space<vmem>>, vector<1x16xf32>,
          %swap3A_236 = vector.shape_cast %swap3A_235 : vector<1x16xf32> to vector<16xf32>
          %swap3A_237 = vector.shape_cast %add3A_232 : vector<16xf32> to vector<1x16xf32>
          tpu.vector_store %arg8[%swap3A_233, %swap3A_234], %swap3A_237 {strides = array<i32>} : memref<256x32xf32, #tpu.memory_space<vmem>>, vector<1x16xf32>,
          %scan3A_238 = arith.constant 1 : i32
          %scan3A_239 = arith.addi %scan3A_210, %scan3A_238 : i32
          %add3A_240 = arith.addi %rem3A_197, %scan3A_239 : i32
          %get3A_241 = arith.index_cast %scan3A_239 : i32 to index
          %get3A_242 = arith.constant 0 : index
          %get3A_243 = tpu.vector_load %arg8[%get3A_241, %get3A_242] {strides = array<i32>} : memref<256x32xf32, #tpu.memory_space<vmem>>, vector<1x16xf32>,
          %get3A_244 = vector.shape_cast %get3A_243 : vector<1x16xf32> to vector<16xf32>
          %get3A_245 = arith.index_cast %add3A_240 : i32 to index
          %get3A_246 = arith.constant 0 : index
          %get3A_247 = tpu.vector_load %arg7[%get3A_245, %get3A_246] {strides = array<i32>} : memref<600x32xf32, #tpu.memory_space<vmem>>, vector<1x16xf32>,
          %get3A_248 = vector.shape_cast %get3A_247 : vector<1x16xf32> to vector<16xf32>
          %add3A_249 = arith.addf %get3A_244, %get3A_248 : vector<16xf32>
          %swap3A_250 = arith.index_cast %scan3A_239 : i32 to index
          %swap3A_251 = arith.constant 0 : index
          %swap3A_252 = tpu.vector_load %arg8[%swap3A_250, %swap3A_251] {strides = array<i32>} : memref<256x32xf32, #tpu.memory_space<vmem>>, vector<1x16xf32>,
          %swap3A_253 = vector.shape_cast %swap3A_252 : vector<1x16xf32> to vector<16xf32>
          %swap3A_254 = vector.shape_cast %add3A_249 : vector<16xf32> to vector<1x16xf32>
          tpu.vector_store %arg8[%swap3A_250, %swap3A_251], %swap3A_254 {strides = array<i32>} : memref<256x32xf32, #tpu.memory_space<vmem>>, vector<1x16xf32>,
          %get3A_255 = arith.index_cast %scan3A_239 : i32 to index
          %get3A_256 = arith.constant 16 : index
          %get3A_257 = tpu.vector_load %arg8[%get3A_255, %get3A_256] {strides = array<i32>} : memref<256x32xf32, #tpu.memory_space<vmem>>, vector<1x16xf32>,
          %get3A_258 = vector.shape_cast %get3A_257 : vector<1x16xf32> to vector<16xf32>
          %get3A_259 = arith.index_cast %add3A_240 : i32 to index
          %get3A_260 = arith.constant 16 : index
          %get3A_261 = tpu.vector_load %arg7[%get3A_259, %get3A_260] {strides = array<i32>} : memref<600x32xf32, #tpu.memory_space<vmem>>, vector<1x16xf32>,
          %get3A_262 = vector.shape_cast %get3A_261 : vector<1x16xf32> to vector<16xf32>
          %add3A_263 = arith.addf %get3A_258, %get3A_262 : vector<16xf32>
          %swap3A_264 = arith.index_cast %scan3A_239 : i32 to index
          %swap3A_265 = arith.constant 16 : index
          %swap3A_266 = tpu.vector_load %arg8[%swap3A_264, %swap3A_265] {strides = array<i32>} : memref<256x32xf32, #tpu.memory_space<vmem>>, vector<1x16xf32>,
          %swap3A_267 = vector.shape_cast %swap3A_266 : vector<1x16xf32> to vector<16xf32>
          %swap3A_268 = vector.shape_cast %add3A_263 : vector<16xf32> to vector<1x16xf32>
          tpu.vector_store %arg8[%swap3A_264, %swap3A_265], %swap3A_268 {strides = array<i32>} : memref<256x32xf32, #tpu.memory_space<vmem>>, vector<1x16xf32>,
          %scan3A_269 = arith.constant 2 : i32
          %scan3A_270 = arith.addi %scan3A_210, %scan3A_269 : i32
          %add3A_271 = arith.addi %rem3A_197, %scan3A_270 : i32
          %get3A_272 = arith.index_cast %scan3A_270 : i32 to index
          %get3A_273 = arith.constant 0 : index
          %get3A_274 = tpu.vector_load %arg8[%get3A_272, %get3A_273] {strides = array<i32>} : memref<256x32xf32, #tpu.memory_space<vmem>>, vector<1x16xf32>,
          %get3A_275 = vector.shape_cast %get3A_274 : vector<1x16xf32> to vector<16xf32>
          %get3A_276 = arith.index_cast %add3A_271 : i32 to index
          %get3A_277 = arith.constant 0 : index
          %get3A_278 = tpu.vector_load %arg7[%get3A_276, %get3A_277] {strides = array<i32>} : memref<600x32xf32, #tpu.memory_space<vmem>>, vector<1x16xf32>,
          %get3A_279 = vector.shape_cast %get3A_278 : vector<1x16xf32> to vector<16xf32>
          %add3A_280 = arith.addf %get3A_275, %get3A_279 : vector<16xf32>
          %swap3A_281 = arith.index_cast %scan3A_270 : i32 to index
          %swap3A_282 = arith.constant 0 : index
          %swap3A_283 = tpu.vector_load %arg8[%swap3A_281, %swap3A_282] {strides = array<i32>} : memref<256x32xf32, #tpu.memory_space<vmem>>, vector<1x16xf32>,
          %swap3A_284 = vector.shape_cast %swap3A_283 : vector<1x16xf32> to vector<16xf32>
          %swap3A_285 = vector.shape_cast %add3A_280 : vector<16xf32> to vector<1x16xf32>
          tpu.vector_store %arg8[%swap3A_281, %swap3A_282], %swap3A_285 {strides = array<i32>} : memref<256x32xf32, #tpu.memory_space<vmem>>, vector<1x16xf32>,
          %get3A_286 = arith.index_cast %scan3A_270 : i32 to index
          %get3A_287 = arith.constant 16 : index
          %get3A_288 = tpu.vector_load %arg8[%get3A_286, %get3A_287] {strides = array<i32>} : memref<256x32xf32, #tpu.memory_space<vmem>>, vector<1x16xf32>,
          %get3A_289 = vector.shape_cast %get3A_288 : vector<1x16xf32> to vector<16xf32>
          %get3A_290 = arith.index_cast %add3A_271 : i32 to index
          %get3A_291 = arith.constant 16 : index
          %get3A_292 = tpu.vector_load %arg7[%get3A_290, %get3A_291] {strides = array<i32>} : memref<600x32xf32, #tpu.memory_space<vmem>>, vector<1x16xf32>,
          %get3A_293 = vector.shape_cast %get3A_292 : vector<1x16xf32> to vector<16xf32>
          %add3A_294 = arith.addf %get3A_289, %get3A_293 : vector<16xf32>
          %swap3A_295 = arith.index_cast %scan3A_270 : i32 to index
          %swap3A_296 = arith.constant 16 : index
          %swap3A_297 = tpu.vector_load %arg8[%swap3A_295, %swap3A_296] {strides = array<i32>} : memref<256x32xf32, #tpu.memory_space<vmem>>, vector<1x16xf32>,
          %swap3A_298 = vector.shape_cast %swap3A_297 : vector<1x16xf32> to vector<16xf32>
          %swap3A_299 = vector.shape_cast %add3A_294 : vector<16xf32> to vector<1x16xf32>
          tpu.vector_store %arg8[%swap3A_295, %swap3A_296], %swap3A_299 {strides = array<i32>} : memref<256x32xf32, #tpu.memory_space<vmem>>, vector<1x16xf32>,
          %scan3A_300 = arith.constant 3 : i32
          %scan3A_301 = arith.addi %scan3A_210, %scan3A_300 : i32
          %add3A_302 = arith.addi %rem3A_197, %scan3A_301 : i32
          %get3A_303 = arith.index_cast %scan3A_301 : i32 to index
          %get3A_304 = arith.constant 0 : index
          %get3A_305 = tpu.vector_load %arg8[%get3A_303, %get3A_304] {strides = array<i32>} : memref<256x32xf32, #tpu.memory_space<vmem>>, vector<1x16xf32>,
          %get3A_306 = vector.shape_cast %get3A_305 : vector<1x16xf32> to vector<16xf32>
          %get3A_307 = arith.index_cast %add3A_302 : i32 to index
          %get3A_308 = arith.constant 0 : index
          %get3A_309 = tpu.vector_load %arg7[%get3A_307, %get3A_308] {strides = array<i32>} : memref<600x32xf32, #tpu.memory_space<vmem>>, vector<1x16xf32>,
          %get3A_310 = vector.shape_cast %get3A_309 : vector<1x16xf32> to vector<16xf32>
          %add3A_311 = arith.addf %get3A_306, %get3A_310 : vector<16xf32>
          %swap3A_312 = arith.index_cast %scan3A_301 : i32 to index
          %swap3A_313 = arith.constant 0 : index
          %swap3A_314 = tpu.vector_load %arg8[%swap3A_312, %swap3A_313] {strides = array<i32>} : memref<256x32xf32, #tpu.memory_space<vmem>>, vector<1x16xf32>,
          %swap3A_315 = vector.shape_cast %swap3A_314 : vector<1x16xf32> to vector<16xf32>
          %swap3A_316 = vector.shape_cast %add3A_311 : vector<16xf32> to vector<1x16xf32>
          tpu.vector_store %arg8[%swap3A_312, %swap3A_313], %swap3A_316 {strides = array<i32>} : memref<256x32xf32, #tpu.memory_space<vmem>>, vector<1x16xf32>,
          %get3A_317 = arith.index_cast %scan3A_301 : i32 to index
          %get3A_318 = arith.constant 16 : index
          %get3A_319 = tpu.vector_load %arg8[%get3A_317, %get3A_318] {strides = array<i32>} : memref<256x32xf32, #tpu.memory_space<vmem>>, vector<1x16xf32>,
          %get3A_320 = vector.shape_cast %get3A_319 : vector<1x16xf32> to vector<16xf32>
          %get3A_321 = arith.index_cast %add3A_302 : i32 to index
          %get3A_322 = arith.constant 16 : index
          %get3A_323 = tpu.vector_load %arg7[%get3A_321, %get3A_322] {strides = array<i32>} : memref<600x32xf32, #tpu.memory_space<vmem>>, vector<1x16xf32>,
          %get3A_324 = vector.shape_cast %get3A_323 : vector<1x16xf32> to vector<16xf32>
          %add3A_325 = arith.addf %get3A_320, %get3A_324 : vector<16xf32>
          %swap3A_326 = arith.index_cast %scan3A_301 : i32 to index
          %swap3A_327 = arith.constant 16 : index
          %swap3A_328 = tpu.vector_load %arg8[%swap3A_326, %swap3A_327] {strides = array<i32>} : memref<256x32xf32, #tpu.memory_space<vmem>>, vector<1x16xf32>,
          %swap3A_329 = vector.shape_cast %swap3A_328 : vector<1x16xf32> to vector<16xf32>
          %swap3A_330 = vector.shape_cast %add3A_325 : vector<16xf32> to vector<1x16xf32>
          tpu.vector_store %arg8[%swap3A_326, %swap3A_327], %swap3A_330 {strides = array<i32>} : memref<256x32xf32, #tpu.memory_space<vmem>>, vector<1x16xf32>,
        }
        %scan3A_203 = arith.constant 256 : i32
        %mul3A_204 = arith.constant 256 : i32
        %mul3A_205 = arith.muli %sub3A_145, %mul3A_204 : i32
        %add3A_206 = arith.addi %mul3A_2, %mul3A_205 : i32
        %dma_start3A = arith.constant 0 : i32
        %dma_start3A_207 = tpu.memref_slice %arg5[%add3A_206, %dma_start3A] : memref<819200x32xf32, #tpu.memory_space<hbm>> -> memref<256x32xf32, #tpu.memory_space<hbm>>
        %dma_start3A_208 = arith.constant 0 : i32
        %dma_start3A_209 = tpu.memref_slice %arg5[%add3A_206, %dma_start3A_208] : memref<819200x32xf32, #tpu.memory_space<hbm>> -> memref<256x32xf32, #tpu.memory_space<hbm>>
        tpu.enqueue_dma source(%arg8 : memref<256x32xf32, #tpu.memory_space<vmem>>) target(%dma_start3A_209 : memref<256x32xf32, #tpu.memory_space<hbm>>) target_semaphore(%arg20 : memref<!tpu.dma_semaphore, #tpu.memory_space<semaphore_mem>>)
      } else {
      }
      %add3A_154 = arith.constant 5 : i32
      %add3A_155 = arith.addi %add3A_34, %add3A_154 : i32
      %ge3A_156 = arith.constant 6 : i32
      %ge3A_157 = arith.cmpi sge, %add3A_155, %ge3A_156 : i32
      %lt3A_158 = arith.constant 100 : i32
      %lt3A_159 = arith.cmpi slt, %add3A_155, %lt3A_158 : i32
      %and3A_160 = arith.andi %ge3A_157, %lt3A_159 : i1
      %convert_element_type3A_161 = arith.extui %and3A_160 : i1 to i32
      %cond3A_162 = arith.constant 0 : i32
      %cond3A_163 = arith.cmpi ne, %convert_element_type3A_161, %cond3A_162 : i32
      scf.if %cond3A_163 {
        %dma_wait3A_179 = arith.constant 0 : i32
        %dma_wait3A_180 = tpu.memref_slice %arg5[%mul3A_2, %dma_wait3A_179] : memref<819200x32xf32, #tpu.memory_space<hbm>> -> memref<256x32xf32, #tpu.memory_space<hbm>>
        %dma_wait3A_181 = arith.constant 0 : i32
        %dma_wait3A_182 = tpu.memref_slice %arg5[%mul3A_2, %dma_wait3A_181] : memref<819200x32xf32, #tpu.memory_space<hbm>> -> memref<256x32xf32, #tpu.memory_space<hbm>>
        tpu.wait_dma2 semaphore(%arg25 : memref<!tpu.dma_semaphore, #tpu.memory_space<semaphore_mem>>) src(%arg13 : memref<256x32xf32, #tpu.memory_space<vmem>>) dst(%dma_wait3A_182 : memref<256x32xf32, #tpu.memory_space<hbm>>)
      } else {
      }
      %lt3A_164 = arith.constant 100 : i32
      %lt3A_165 = arith.cmpi slt, %add3A_155, %lt3A_164 : i32
      %convert_element_type3A_166 = arith.extui %lt3A_165 : i1 to i32
      %cond3A_167 = arith.constant 0 : i32
      %cond3A_168 = arith.cmpi ne, %convert_element_type3A_166, %cond3A_167 : i32
      scf.if %cond3A_168 {
        %mul3A_179 = arith.constant 256 : i32
        %mul3A_180 = arith.muli %add3A_155, %mul3A_179 : i32
        %add3A_181 = arith.constant 0 : i32
        %add3A_182 = arith.addi %mul3A_180, %add3A_181 : i32
        %dma_start3A = arith.constant 0 : i32
        %dma_start3A_183 = arith.constant 0 : i32
        %dma_start3A_184 = tpu.memref_slice %arg13[%dma_start3A, %dma_start3A_183] : memref<256x32xf32, #tpu.memory_space<vmem>> -> memref<128x32xf32, #tpu.memory_space<vmem>>
        %dma_start3A_185 = tpu.memref_slice %arg6[%add3A_182] : memref<25600xi32, #tpu.memory_space<vmem>> -> memref<128xi32, #tpu.memory_space<vmem>>
        %dma_start3A_186 = arith.constant 0 : i32
        %dma_start3A_187 = arith.constant 0 : i32
        %dma_start3A_188 = tpu.memref_slice %arg2[%dma_start3A_186, %dma_start3A_187] : memref<1000000x32xf32, #tpu.memory_space<hbm>> -> memref<1000000x32xf32, #tpu.memory_space<hbm>>
        tpu.enqueue_indirect_dma source(%dma_start3A_188 : memref<1000000x32xf32, #tpu.memory_space<hbm>>) target(%dma_start3A_184 : memref<128x32xf32, #tpu.memory_space<vmem>>) offsets(%dma_start3A_185 : memref<128xi32, #tpu.memory_space<vmem>>) semaphore(%arg19 : memref<!tpu.dma_semaphore, #tpu.memory_space<semaphore_mem>>)
        %mul3A_189 = arith.constant 256 : i32
        %mul3A_190 = arith.muli %add3A_155, %mul3A_189 : i32
        %add3A_191 = arith.constant 128 : i32
        %add3A_192 = arith.addi %mul3A_190, %add3A_191 : i32
        %dma_start3A_193 = arith.constant 128 : i32
        %dma_start3A_194 = arith.constant 0 : i32
        %dma_start3A_195 = tpu.memref_slice %arg13[%dma_start3A_193, %dma_start3A_194] : memref<256x32xf32, #tpu.memory_space<vmem>> -> memref<128x32xf32, #tpu.memory_space<vmem>>
        %dma_start3A_196 = tpu.memref_slice %arg6[%add3A_192] : memref<25600xi32, #tpu.memory_space<vmem>> -> memref<128xi32, #tpu.memory_space<vmem>>
        %dma_start3A_197 = arith.constant 0 : i32
        %dma_start3A_198 = arith.constant 0 : i32
        %dma_start3A_199 = tpu.memref_slice %arg2[%dma_start3A_197, %dma_start3A_198] : memref<1000000x32xf32, #tpu.memory_space<hbm>> -> memref<1000000x32xf32, #tpu.memory_space<hbm>>
        tpu.enqueue_indirect_dma source(%dma_start3A_199 : memref<1000000x32xf32, #tpu.memory_space<hbm>>) target(%dma_start3A_195 : memref<128x32xf32, #tpu.memory_space<vmem>>) offsets(%dma_start3A_196 : memref<128xi32, #tpu.memory_space<vmem>>) semaphore(%arg19 : memref<!tpu.dma_semaphore, #tpu.memory_space<semaphore_mem>>)
      } else {
      }
      %sub3A_169 = arith.constant 4 : i32
      %sub3A_170 = arith.subi %add3A_155, %sub3A_169 : i32
      %ge3A_171 = arith.constant 0 : i32
      %ge3A_172 = arith.cmpi sge, %sub3A_170, %ge3A_171 : i32
      %lt3A_173 = arith.constant 100 : i32
      %lt3A_174 = arith.cmpi slt, %sub3A_170, %lt3A_173 : i32
      %and3A_175 = arith.andi %ge3A_172, %lt3A_174 : i1
      %convert_element_type3A_176 = arith.extui %and3A_175 : i1 to i32
      %cond3A_177 = arith.constant 0 : i32
      %cond3A_178 = arith.cmpi ne, %convert_element_type3A_176, %cond3A_177 : i32
      scf.if %cond3A_178 {
        %dma_wait3A_179 = arith.constant 0 : i32
        %dma_wait3A_180 = arith.constant 0 : i32
        %dma_wait3A_181 = tpu.memref_slice %arg9[%dma_wait3A_179, %dma_wait3A_180] : memref<256x32xf32, #tpu.memory_space<vmem>> -> memref<128x32xf32, #tpu.memory_space<vmem>>
        %dma_wait3A_182 = arith.constant 0 : i32
        %dma_wait3A_183 = tpu.memref_slice %arg6[%dma_wait3A_182] : memref<25600xi32, #tpu.memory_space<vmem>> -> memref<128xi32, #tpu.memory_space<vmem>>
        %dma_wait3A_184 = arith.constant 0 : i32
        %dma_wait3A_185 = arith.constant 0 : i32
        %dma_wait3A_186 = tpu.memref_slice %arg2[%dma_wait3A_184, %dma_wait3A_185] : memref<1000000x32xf32, #tpu.memory_space<hbm>> -> memref<1000000x32xf32, #tpu.memory_space<hbm>>
        tpu.wait_indirect_dma semaphore(%arg15 : memref<!tpu.dma_semaphore, #tpu.memory_space<semaphore_mem>>) src(%dma_wait3A_186 : memref<1000000x32xf32, #tpu.memory_space<hbm>>) dst(%dma_wait3A_181 : memref<128x32xf32, #tpu.memory_space<vmem>>)
        %dma_wait3A_187 = arith.constant 128 : i32
        %dma_wait3A_188 = arith.constant 0 : i32
        %dma_wait3A_189 = tpu.memref_slice %arg9[%dma_wait3A_187, %dma_wait3A_188] : memref<256x32xf32, #tpu.memory_space<vmem>> -> memref<128x32xf32, #tpu.memory_space<vmem>>
        %dma_wait3A_190 = arith.constant 128 : i32
        %dma_wait3A_191 = tpu.memref_slice %arg6[%dma_wait3A_190] : memref<25600xi32, #tpu.memory_space<vmem>> -> memref<128xi32, #tpu.memory_space<vmem>>
        %dma_wait3A_192 = arith.constant 0 : i32
        %dma_wait3A_193 = arith.constant 0 : i32
        %dma_wait3A_194 = tpu.memref_slice %arg2[%dma_wait3A_192, %dma_wait3A_193] : memref<1000000x32xf32, #tpu.memory_space<hbm>> -> memref<1000000x32xf32, #tpu.memory_space<hbm>>
        tpu.wait_indirect_dma semaphore(%arg15 : memref<!tpu.dma_semaphore, #tpu.memory_space<semaphore_mem>>) src(%dma_wait3A_194 : memref<1000000x32xf32, #tpu.memory_space<hbm>>) dst(%dma_wait3A_189 : memref<128x32xf32, #tpu.memory_space<vmem>>)
        %mul3A_195 = arith.constant 256 : i32
        %mul3A_196 = arith.muli %sub3A_170, %mul3A_195 : i32
        %rem3A = arith.constant 200 : i32
        %rem3A_197 = arith.remsi %mul3A_196, %rem3A : i32
        %scan3A_198 = arith.constant 0 : i32
        %scan3A_199 = arith.constant 0 : i32
        %scan3A_200 = arith.constant 256 : i32
        %scan3A_201 = arith.addi %scan3A_199, %scan3A_200 : i32
        %scan3A_202 = arith.constant 4 : i32
        scf.for %scan3A_210 = %scan3A_199 to %scan3A_201 step %scan3A_202  : i32 {
          %add3A_211 = arith.addi %rem3A_197, %scan3A_210 : i32
          %get3A = arith.index_cast %scan3A_210 : i32 to index
          %get3A_212 = arith.constant 0 : index
          %get3A_213 = tpu.vector_load %arg9[%get3A, %get3A_212] {strides = array<i32>} : memref<256x32xf32, #tpu.memory_space<vmem>>, vector<1x16xf32>,
          %get3A_214 = vector.shape_cast %get3A_213 : vector<1x16xf32> to vector<16xf32>
          %get3A_215 = arith.index_cast %add3A_211 : i32 to index
          %get3A_216 = arith.constant 0 : index
          %get3A_217 = tpu.vector_load %arg7[%get3A_215, %get3A_216] {strides = array<i32>} : memref<600x32xf32, #tpu.memory_space<vmem>>, vector<1x16xf32>,
          %get3A_218 = vector.shape_cast %get3A_217 : vector<1x16xf32> to vector<16xf32>
          %add3A_219 = arith.addf %get3A_214, %get3A_218 : vector<16xf32>
          %swap3A = arith.index_cast %scan3A_210 : i32 to index
          %swap3A_220 = arith.constant 0 : index
          %swap3A_221 = tpu.vector_load %arg9[%swap3A, %swap3A_220] {strides = array<i32>} : memref<256x32xf32, #tpu.memory_space<vmem>>, vector<1x16xf32>,
          %swap3A_222 = vector.shape_cast %swap3A_221 : vector<1x16xf32> to vector<16xf32>
          %swap3A_223 = vector.shape_cast %add3A_219 : vector<16xf32> to vector<1x16xf32>
          tpu.vector_store %arg9[%swap3A, %swap3A_220], %swap3A_223 {strides = array<i32>} : memref<256x32xf32, #tpu.memory_space<vmem>>, vector<1x16xf32>,
          %get3A_224 = arith.index_cast %scan3A_210 : i32 to index
          %get3A_225 = arith.constant 16 : index
          %get3A_226 = tpu.vector_load %arg9[%get3A_224, %get3A_225] {strides = array<i32>} : memref<256x32xf32, #tpu.memory_space<vmem>>, vector<1x16xf32>,
          %get3A_227 = vector.shape_cast %get3A_226 : vector<1x16xf32> to vector<16xf32>
          %get3A_228 = arith.index_cast %add3A_211 : i32 to index
          %get3A_229 = arith.constant 16 : index
          %get3A_230 = tpu.vector_load %arg7[%get3A_228, %get3A_229] {strides = array<i32>} : memref<600x32xf32, #tpu.memory_space<vmem>>, vector<1x16xf32>,
          %get3A_231 = vector.shape_cast %get3A_230 : vector<1x16xf32> to vector<16xf32>
          %add3A_232 = arith.addf %get3A_227, %get3A_231 : vector<16xf32>
          %swap3A_233 = arith.index_cast %scan3A_210 : i32 to index
          %swap3A_234 = arith.constant 16 : index
          %swap3A_235 = tpu.vector_load %arg9[%swap3A_233, %swap3A_234] {strides = array<i32>} : memref<256x32xf32, #tpu.memory_space<vmem>>, vector<1x16xf32>,
          %swap3A_236 = vector.shape_cast %swap3A_235 : vector<1x16xf32> to vector<16xf32>
          %swap3A_237 = vector.shape_cast %add3A_232 : vector<16xf32> to vector<1x16xf32>
          tpu.vector_store %arg9[%swap3A_233, %swap3A_234], %swap3A_237 {strides = array<i32>} : memref<256x32xf32, #tpu.memory_space<vmem>>, vector<1x16xf32>,
          %scan3A_238 = arith.constant 1 : i32
          %scan3A_239 = arith.addi %scan3A_210, %scan3A_238 : i32
          %add3A_240 = arith.addi %rem3A_197, %scan3A_239 : i32
          %get3A_241 = arith.index_cast %scan3A_239 : i32 to index
          %get3A_242 = arith.constant 0 : index
          %get3A_243 = tpu.vector_load %arg9[%get3A_241, %get3A_242] {strides = array<i32>} : memref<256x32xf32, #tpu.memory_space<vmem>>, vector<1x16xf32>,
          %get3A_244 = vector.shape_cast %get3A_243 : vector<1x16xf32> to vector<16xf32>
          %get3A_245 = arith.index_cast %add3A_240 : i32 to index
          %get3A_246 = arith.constant 0 : index
          %get3A_247 = tpu.vector_load %arg7[%get3A_245, %get3A_246] {strides = array<i32>} : memref<600x32xf32, #tpu.memory_space<vmem>>, vector<1x16xf32>,
          %get3A_248 = vector.shape_cast %get3A_247 : vector<1x16xf32> to vector<16xf32>
          %add3A_249 = arith.addf %get3A_244, %get3A_248 : vector<16xf32>
          %swap3A_250 = arith.index_cast %scan3A_239 : i32 to index
          %swap3A_251 = arith.constant 0 : index
          %swap3A_252 = tpu.vector_load %arg9[%swap3A_250, %swap3A_251] {strides = array<i32>} : memref<256x32xf32, #tpu.memory_space<vmem>>, vector<1x16xf32>,
          %swap3A_253 = vector.shape_cast %swap3A_252 : vector<1x16xf32> to vector<16xf32>
          %swap3A_254 = vector.shape_cast %add3A_249 : vector<16xf32> to vector<1x16xf32>
          tpu.vector_store %arg9[%swap3A_250, %swap3A_251], %swap3A_254 {strides = array<i32>} : memref<256x32xf32, #tpu.memory_space<vmem>>, vector<1x16xf32>,
          %get3A_255 = arith.index_cast %scan3A_239 : i32 to index
          %get3A_256 = arith.constant 16 : index
          %get3A_257 = tpu.vector_load %arg9[%get3A_255, %get3A_256] {strides = array<i32>} : memref<256x32xf32, #tpu.memory_space<vmem>>, vector<1x16xf32>,
          %get3A_258 = vector.shape_cast %get3A_257 : vector<1x16xf32> to vector<16xf32>
          %get3A_259 = arith.index_cast %add3A_240 : i32 to index
          %get3A_260 = arith.constant 16 : index
          %get3A_261 = tpu.vector_load %arg7[%get3A_259, %get3A_260] {strides = array<i32>} : memref<600x32xf32, #tpu.memory_space<vmem>>, vector<1x16xf32>,
          %get3A_262 = vector.shape_cast %get3A_261 : vector<1x16xf32> to vector<16xf32>
          %add3A_263 = arith.addf %get3A_258, %get3A_262 : vector<16xf32>
          %swap3A_264 = arith.index_cast %scan3A_239 : i32 to index
          %swap3A_265 = arith.constant 16 : index
          %swap3A_266 = tpu.vector_load %arg9[%swap3A_264, %swap3A_265] {strides = array<i32>} : memref<256x32xf32, #tpu.memory_space<vmem>>, vector<1x16xf32>,
          %swap3A_267 = vector.shape_cast %swap3A_266 : vector<1x16xf32> to vector<16xf32>
          %swap3A_268 = vector.shape_cast %add3A_263 : vector<16xf32> to vector<1x16xf32>
          tpu.vector_store %arg9[%swap3A_264, %swap3A_265], %swap3A_268 {strides = array<i32>} : memref<256x32xf32, #tpu.memory_space<vmem>>, vector<1x16xf32>,
          %scan3A_269 = arith.constant 2 : i32
          %scan3A_270 = arith.addi %scan3A_210, %scan3A_269 : i32
          %add3A_271 = arith.addi %rem3A_197, %scan3A_270 : i32
          %get3A_272 = arith.index_cast %scan3A_270 : i32 to index
          %get3A_273 = arith.constant 0 : index
          %get3A_274 = tpu.vector_load %arg9[%get3A_272, %get3A_273] {strides = array<i32>} : memref<256x32xf32, #tpu.memory_space<vmem>>, vector<1x16xf32>,
          %get3A_275 = vector.shape_cast %get3A_274 : vector<1x16xf32> to vector<16xf32>
          %get3A_276 = arith.index_cast %add3A_271 : i32 to index
          %get3A_277 = arith.constant 0 : index
          %get3A_278 = tpu.vector_load %arg7[%get3A_276, %get3A_277] {strides = array<i32>} : memref<600x32xf32, #tpu.memory_space<vmem>>, vector<1x16xf32>,
          %get3A_279 = vector.shape_cast %get3A_278 : vector<1x16xf32> to vector<16xf32>
          %add3A_280 = arith.addf %get3A_275, %get3A_279 : vector<16xf32>
          %swap3A_281 = arith.index_cast %scan3A_270 : i32 to index
          %swap3A_282 = arith.constant 0 : index
          %swap3A_283 = tpu.vector_load %arg9[%swap3A_281, %swap3A_282] {strides = array<i32>} : memref<256x32xf32, #tpu.memory_space<vmem>>, vector<1x16xf32>,
          %swap3A_284 = vector.shape_cast %swap3A_283 : vector<1x16xf32> to vector<16xf32>
          %swap3A_285 = vector.shape_cast %add3A_280 : vector<16xf32> to vector<1x16xf32>
          tpu.vector_store %arg9[%swap3A_281, %swap3A_282], %swap3A_285 {strides = array<i32>} : memref<256x32xf32, #tpu.memory_space<vmem>>, vector<1x16xf32>,
          %get3A_286 = arith.index_cast %scan3A_270 : i32 to index
          %get3A_287 = arith.constant 16 : index
          %get3A_288 = tpu.vector_load %arg9[%get3A_286, %get3A_287] {strides = array<i32>} : memref<256x32xf32, #tpu.memory_space<vmem>>, vector<1x16xf32>,
          %get3A_289 = vector.shape_cast %get3A_288 : vector<1x16xf32> to vector<16xf32>
          %get3A_290 = arith.index_cast %add3A_271 : i32 to index
          %get3A_291 = arith.constant 16 : index
          %get3A_292 = tpu.vector_load %arg7[%get3A_290, %get3A_291] {strides = array<i32>} : memref<600x32xf32, #tpu.memory_space<vmem>>, vector<1x16xf32>,
          %get3A_293 = vector.shape_cast %get3A_292 : vector<1x16xf32> to vector<16xf32>
          %add3A_294 = arith.addf %get3A_289, %get3A_293 : vector<16xf32>
          %swap3A_295 = arith.index_cast %scan3A_270 : i32 to index
          %swap3A_296 = arith.constant 16 : index
          %swap3A_297 = tpu.vector_load %arg9[%swap3A_295, %swap3A_296] {strides = array<i32>} : memref<256x32xf32, #tpu.memory_space<vmem>>, vector<1x16xf32>,
          %swap3A_298 = vector.shape_cast %swap3A_297 : vector<1x16xf32> to vector<16xf32>
          %swap3A_299 = vector.shape_cast %add3A_294 : vector<16xf32> to vector<1x16xf32>
          tpu.vector_store %arg9[%swap3A_295, %swap3A_296], %swap3A_299 {strides = array<i32>} : memref<256x32xf32, #tpu.memory_space<vmem>>, vector<1x16xf32>,
          %scan3A_300 = arith.constant 3 : i32
          %scan3A_301 = arith.addi %scan3A_210, %scan3A_300 : i32
          %add3A_302 = arith.addi %rem3A_197, %scan3A_301 : i32
          %get3A_303 = arith.index_cast %scan3A_301 : i32 to index
          %get3A_304 = arith.constant 0 : index
          %get3A_305 = tpu.vector_load %arg9[%get3A_303, %get3A_304] {strides = array<i32>} : memref<256x32xf32, #tpu.memory_space<vmem>>, vector<1x16xf32>,
          %get3A_306 = vector.shape_cast %get3A_305 : vector<1x16xf32> to vector<16xf32>
          %get3A_307 = arith.index_cast %add3A_302 : i32 to index
          %get3A_308 = arith.constant 0 : index
          %get3A_309 = tpu.vector_load %arg7[%get3A_307, %get3A_308] {strides = array<i32>} : memref<600x32xf32, #tpu.memory_space<vmem>>, vector<1x16xf32>,
          %get3A_310 = vector.shape_cast %get3A_309 : vector<1x16xf32> to vector<16xf32>
          %add3A_311 = arith.addf %get3A_306, %get3A_310 : vector<16xf32>
          %swap3A_312 = arith.index_cast %scan3A_301 : i32 to index
          %swap3A_313 = arith.constant 0 : index
          %swap3A_314 = tpu.vector_load %arg9[%swap3A_312, %swap3A_313] {strides = array<i32>} : memref<256x32xf32, #tpu.memory_space<vmem>>, vector<1x16xf32>,
          %swap3A_315 = vector.shape_cast %swap3A_314 : vector<1x16xf32> to vector<16xf32>
          %swap3A_316 = vector.shape_cast %add3A_311 : vector<16xf32> to vector<1x16xf32>
          tpu.vector_store %arg9[%swap3A_312, %swap3A_313], %swap3A_316 {strides = array<i32>} : memref<256x32xf32, #tpu.memory_space<vmem>>, vector<1x16xf32>,
          %get3A_317 = arith.index_cast %scan3A_301 : i32 to index
          %get3A_318 = arith.constant 16 : index
          %get3A_319 = tpu.vector_load %arg9[%get3A_317, %get3A_318] {strides = array<i32>} : memref<256x32xf32, #tpu.memory_space<vmem>>, vector<1x16xf32>,
          %get3A_320 = vector.shape_cast %get3A_319 : vector<1x16xf32> to vector<16xf32>
          %get3A_321 = arith.index_cast %add3A_302 : i32 to index
          %get3A_322 = arith.constant 16 : index
          %get3A_323 = tpu.vector_load %arg7[%get3A_321, %get3A_322] {strides = array<i32>} : memref<600x32xf32, #tpu.memory_space<vmem>>, vector<1x16xf32>,
          %get3A_324 = vector.shape_cast %get3A_323 : vector<1x16xf32> to vector<16xf32>
          %add3A_325 = arith.addf %get3A_320, %get3A_324 : vector<16xf32>
          %swap3A_326 = arith.index_cast %scan3A_301 : i32 to index
          %swap3A_327 = arith.constant 16 : index
          %swap3A_328 = tpu.vector_load %arg9[%swap3A_326, %swap3A_327] {strides = array<i32>} : memref<256x32xf32, #tpu.memory_space<vmem>>, vector<1x16xf32>,
          %swap3A_329 = vector.shape_cast %swap3A_328 : vector<1x16xf32> to vector<16xf32>
          %swap3A_330 = vector.shape_cast %add3A_325 : vector<16xf32> to vector<1x16xf32>
          tpu.vector_store %arg9[%swap3A_326, %swap3A_327], %swap3A_330 {strides = array<i32>} : memref<256x32xf32, #tpu.memory_space<vmem>>, vector<1x16xf32>,
        }
        %scan3A_203 = arith.constant 256 : i32
        %mul3A_204 = arith.constant 256 : i32
        %mul3A_205 = arith.muli %sub3A_170, %mul3A_204 : i32
        %add3A_206 = arith.addi %mul3A_2, %mul3A_205 : i32
        %dma_start3A = arith.constant 0 : i32
        %dma_start3A_207 = tpu.memref_slice %arg5[%add3A_206, %dma_start3A] : memref<819200x32xf32, #tpu.memory_space<hbm>> -> memref<256x32xf32, #tpu.memory_space<hbm>>
        %dma_start3A_208 = arith.constant 0 : i32
        %dma_start3A_209 = tpu.memref_slice %arg5[%add3A_206, %dma_start3A_208] : memref<819200x32xf32, #tpu.memory_space<hbm>> -> memref<256x32xf32, #tpu.memory_space<hbm>>
        tpu.enqueue_dma source(%arg9 : memref<256x32xf32, #tpu.memory_space<vmem>>) target(%dma_start3A_209 : memref<256x32xf32, #tpu.memory_space<hbm>>) target_semaphore(%arg21 : memref<!tpu.dma_semaphore, #tpu.memory_space<semaphore_mem>>)
      } else {
      }
    }
    %scan3A_6 = arith.constant 18 : i32
    %dma_wait3A = arith.constant 0 : i32
    %dma_wait3A_7 = tpu.memref_slice %arg5[%mul3A_2, %dma_wait3A] : memref<819200x32xf32, #tpu.memory_space<hbm>> -> memref<256x32xf32, #tpu.memory_space<hbm>>
    %dma_wait3A_8 = arith.constant 0 : i32
    %dma_wait3A_9 = tpu.memref_slice %arg5[%mul3A_2, %dma_wait3A_8] : memref<819200x32xf32, #tpu.memory_space<hbm>> -> memref<256x32xf32, #tpu.memory_space<hbm>>
    tpu.wait_dma2 semaphore(%arg24 : memref<!tpu.dma_semaphore, #tpu.memory_space<semaphore_mem>>) src(%arg12 : memref<256x32xf32, #tpu.memory_space<vmem>>) dst(%dma_wait3A_9 : memref<256x32xf32, #tpu.memory_space<hbm>>)
    %dma_wait3A_10 = arith.constant 0 : i32
    %dma_wait3A_11 = tpu.memref_slice %arg5[%mul3A_2, %dma_wait3A_10] : memref<819200x32xf32, #tpu.memory_space<hbm>> -> memref<256x32xf32, #tpu.memory_space<hbm>>
    %dma_wait3A_12 = arith.constant 0 : i32
    %dma_wait3A_13 = tpu.memref_slice %arg5[%mul3A_2, %dma_wait3A_12] : memref<819200x32xf32, #tpu.memory_space<hbm>> -> memref<256x32xf32, #tpu.memory_space<hbm>>
    tpu.wait_dma2 semaphore(%arg25 : memref<!tpu.dma_semaphore, #tpu.memory_space<semaphore_mem>>) src(%arg13 : memref<256x32xf32, #tpu.memory_space<vmem>>) dst(%dma_wait3A_13 : memref<256x32xf32, #tpu.memory_space<hbm>>)
    %dma_wait3A_14 = arith.constant 0 : i32
    %dma_wait3A_15 = tpu.memref_slice %arg5[%mul3A_2, %dma_wait3A_14] : memref<819200x32xf32, #tpu.memory_space<hbm>> -> memref<256x32xf32, #tpu.memory_space<hbm>>
    %dma_wait3A_16 = arith.constant 0 : i32
    %dma_wait3A_17 = tpu.memref_slice %arg5[%mul3A_2, %dma_wait3A_16] : memref<819200x32xf32, #tpu.memory_space<hbm>> -> memref<256x32xf32, #tpu.memory_space<hbm>>
    tpu.wait_dma2 semaphore(%arg20 : memref<!tpu.dma_semaphore, #tpu.memory_space<semaphore_mem>>) src(%arg8 : memref<256x32xf32, #tpu.memory_space<vmem>>) dst(%dma_wait3A_17 : memref<256x32xf32, #tpu.memory_space<hbm>>)
    %dma_wait3A_18 = arith.constant 0 : i32
    %dma_wait3A_19 = tpu.memref_slice %arg5[%mul3A_2, %dma_wait3A_18] : memref<819200x32xf32, #tpu.memory_space<hbm>> -> memref<256x32xf32, #tpu.memory_space<hbm>>
    %dma_wait3A_20 = arith.constant 0 : i32
    %dma_wait3A_21 = tpu.memref_slice %arg5[%mul3A_2, %dma_wait3A_20] : memref<819200x32xf32, #tpu.memory_space<hbm>> -> memref<256x32xf32, #tpu.memory_space<hbm>>
    tpu.wait_dma2 semaphore(%arg21 : memref<!tpu.dma_semaphore, #tpu.memory_space<semaphore_mem>>) src(%arg9 : memref<256x32xf32, #tpu.memory_space<vmem>>) dst(%dma_wait3A_21 : memref<256x32xf32, #tpu.memory_space<hbm>>)
    %dma_wait3A_22 = arith.constant 0 : i32
    %dma_wait3A_23 = tpu.memref_slice %arg5[%mul3A_2, %dma_wait3A_22] : memref<819200x32xf32, #tpu.memory_space<hbm>> -> memref<256x32xf32, #tpu.memory_space<hbm>>
    %dma_wait3A_24 = arith.constant 0 : i32
    %dma_wait3A_25 = tpu.memref_slice %arg5[%mul3A_2, %dma_wait3A_24] : memref<819200x32xf32, #tpu.memory_space<hbm>> -> memref<256x32xf32, #tpu.memory_space<hbm>>
    tpu.wait_dma2 semaphore(%arg22 : memref<!tpu.dma_semaphore, #tpu.memory_space<semaphore_mem>>) src(%arg10 : memref<256x32xf32, #tpu.memory_space<vmem>>) dst(%dma_wait3A_25 : memref<256x32xf32, #tpu.memory_space<hbm>>)
    %dma_wait3A_26 = arith.constant 0 : i32
    %dma_wait3A_27 = tpu.memref_slice %arg5[%mul3A_2, %dma_wait3A_26] : memref<819200x32xf32, #tpu.memory_space<hbm>> -> memref<256x32xf32, #tpu.memory_space<hbm>>
    %dma_wait3A_28 = arith.constant 0 : i32
    %dma_wait3A_29 = tpu.memref_slice %arg5[%mul3A_2, %dma_wait3A_28] : memref<819200x32xf32, #tpu.memory_space<hbm>> -> memref<256x32xf32, #tpu.memory_space<hbm>>
    tpu.wait_dma2 semaphore(%arg23 : memref<!tpu.dma_semaphore, #tpu.memory_space<semaphore_mem>>) src(%arg11 : memref<256x32xf32, #tpu.memory_space<vmem>>) dst(%dma_wait3A_29 : memref<256x32xf32, #tpu.memory_space<hbm>>)
    return
  }
}

</mosaic_0001>

<sc_bundles>
// kernel: kernel.3.cloned.1.call-start
scs
__scs_entry_jumppad:
0x0: {  	(pc) =	sbr.rel $0x88, $3  }
0x1: {  	(tag) =	ssettag $0x0;
	lr =	simm.s32 $0x1  }
0x2: {  	[smem:$0x3F9E] =	sst lr;
	_ =	strace $0xD0000000  }
0x3: {  	_ = 	snop  }
0x4: {  	_ = 	snop  }
0x5: {  	_ = 	snop  }
0x6: {  	_ = 	snop  }
0x7: {  	_ = 	snop  }
__scs_overlays_trampoline_lowered:
0x8: {  	[smem:$0x3FAD] =	sst s0  }
0x9: {  	[smem:$0x3FAE] =	sst s1  }
0xa: {  	[smem:$0x3FAF] =	sst s2  }
0xb: {  	[smem:$0x3FB0] =	sst s3  }
0xc: {  	[smem:$0x3FB1] =	sst s4  }
0xd: {  	[smem:$0x3FB2] =	sst s5  }
0xe: {  	[smem:$0x3FB3] =	sst s6  }
0xf: {  	[smem:$0x3FB4] =	sst s7  }
0x10: {  	[smem:$0x3FB5] =	sst s8  }
0x11: {  	[smem:$0x3FB6] =	sst s9;
	s0 =	simm.s32 @!p0 $0x0  }
0x12: {  	s1 =	sld [smem:$0x3F9C];
	s0 =	simm.s32 @p0 $0x1  }
0x13: {  	[smem:$0x3FB7] =	sst s0;
	s0 =	simm.s32 @!p1 $0x0  }
0x14: {  	s2 =	sld [smem:$0x3F9B];
	s0 =	simm.s32 @p1 $0x1  }
0x15: {  	[smem:$0x3FB8] =	sst s0;
	s0 =	simm.s32 @!p2 $0x0  }
0x16: {  	s3 =	sld [smem:$0x3FDB];
	s0 =	simm.s32 @p2 $0x1  }
0x17: {  	s4 =	simm.s32 $0x1BF5;
	[smem:$0x3FBA] =	sst s0  }
0x18: {  	s0 =	sld [smem:$0x3F9D];
	_ =	swait.ge [sflag:s4], $0x0  }
0x19: {  	s7 =	sld [smem:$0x3F9E]  }
0x1a: {  	s8 =	sadd.s32 $0xFFFFE003, lr  }
0x1b: {  	s9 =	sadd.s32 $0xFFFFFEF7, lr;
	s5 =	simm.s32 $0xFFFFFFFF;
	p2 =	slt.u32 s8, $0xFFFFF086  }
0x1c: {  	p1 =	slt.u32 s9, $0xF7A;
	s5 =	simm.s32 @!p2 $0x0  }
0x1d: {  	s5 =	simm.s32 @p1 $0x1;
	p0 =	seq.s32 s7, s2  }
0x1e: {  	s7 =	smul.u32 @!p0 $0xF7A, s2;
	p2 =	seq.s32 @!p0 s5, $0x0  }
0x1f: {  	s9 =	smul.u32 $0xF7A, s1;
	s8 =	simm.s32 @!p0 $0x1BF5;
	p2 =	por !p2, p0  }
0x20: {  	[sflag:s8] =	ssyncset.s32 @!p0 $0xFFFFF086;
	s6 =	sadd.s32 @!p0 s3, s7;
	s7 =	simm.s32 @!p0 $0x108  }
0x21: {  	s3 =	sadd.s32 s3, s9;
	s6 =	sadd.s32 @!p0 $0x88, s6;
	s7 =	simm.s32 @p2 $0x1082  }
0x22: {  	[simem:s7], [sflag:s8] =	dma.local @!p0 [hbm:s6], $0xF7A  }
0x23: {  	s9 =	sor.u32 $0xD0000000, s2;
	s6 =	simm.s32 $0x108;
	_ =	swait.ge @!p0 [sflag:s8], $0x0  }
0x24: {  	s3 =	sadd.s32 $0x88, s3;
	s6 =	simm.s32 @!p1 $0x1082;
	[sflag:s4] =	ssyncset.s32 $0xFFFFF086  }
0x25: {  	[simem:s6], [sflag:s4] =	dma.local [hbm:s3], $0xF7A  }
0x26: {  	[smem:$0x3F9E] =	sst s1;
	(tag) =	ssettag s2;
	_ =	strace s9  }
0x27: {  	s1 =	sld [smem:$0x3FAE]  }
0x28: {  	s2 =	sld [smem:$0x3FAF]  }
0x29: {  	s4 =	sld [smem:$0x3FB1]  }
0x2a: {  	p0 =	seq.s32 s5, $0x0;
	s5 =	sld [smem:$0x3FB2]  }
0x2b: {  	s6 =	sld [smem:$0x3FB3]  }
0x2c: {  	s7 =	sld [smem:$0x3FB4]  }
0x2d: {  	s3 =	simm.s32 $0x108;
	s8 =	sld [smem:$0x3FB5]  }
0x2e: {  	s3 =	simm.s32 @!p0 $0x1082;
	s9 =	sld [smem:$0x3FB6]  }
0x2f: {  	lr =	sadd.s32 s0, s3;
	s0 =	sld [smem:$0x3FAD]  }
0x30: {  	s3 =	sld [smem:$0x3FB0]  }
0x31: {  	[smem:$0x3FB9] =	sst s10  }
0x32: {  	s10 =	sld [smem:$0x3FB7];
	_ =	sdelay $0x3  }
0x33: {  	p0 =	seq.s32 s10, $0x1;
	s10 =	sld [smem:$0x3FB9];
	_ =	sdelay $0x3  }
0x34: {  	[smem:$0x3FB9] =	sst s10  }
0x35: {  	s10 =	sld [smem:$0x3FB8];
	_ =	sdelay $0x3  }
0x36: {  	p1 =	seq.s32 s10, $0x1;
	s10 =	sld [smem:$0x3FB9];
	_ =	sdelay $0x3  }
0x37: {  	[smem:$0x3FB9] =	sst s10  }
0x38: {  	s10 =	sld [smem:$0x3FBA]  }
0x39: {  	_ = 	snop;
	(pc) =	sbr.ind lr, $3  }
0x3a: {  	_ = 	snop  }
0x3b: {  	_ = 	snop  }
0x3c: {  	p2 =	seq.s32 s10, $0x1;
	s10 =	sld [smem:$0x3FB9]  }
0x3d: {  	_ =	shalt  }
0x3e: {  	_ =	shalt  }
0x3f: {  	_ =	shalt  }
0x40: {  	_ =	shalt  }
0x41: {  	_ =	shalt  }
0x42: {  	_ =	shalt  }
0x43: {  	_ =	shalt  }
0x44: {  	_ =	shalt  }
0x45: {  	_ =	shalt  }
0x46: {  	_ =	shalt  }
0x47: {  	_ =	shalt  }
0x48: {  	_ =	shalt  }
0x49: {  	_ =	shalt  }
0x4a: {  	_ =	shalt  }
0x4b: {  	_ =	shalt  }
0x4c: {  	_ =	shalt  }
0x4d: {  	_ =	shalt  }
0x4e: {  	_ =	shalt  }
0x4f: {  	_ =	shalt  }
0x50: {  	_ =	shalt  }
0x51: {  	_ =	shalt  }
0x52: {  	_ =	shalt  }
0x53: {  	_ =	shalt  }
0x54: {  	_ =	shalt  }
0x55: {  	_ =	shalt  }
0x56: {  	_ =	shalt  }
0x57: {  	_ =	shalt  }
0x58: {  	_ =	shalt  }
0x59: {  	_ =	shalt  }
0x5a: {  	_ =	shalt  }
0x5b: {  	_ =	shalt  }
0x5c: {  	_ =	shalt  }
0x5d: {  	_ =	shalt  }
0x5e: {  	_ =	shalt  }
0x5f: {  	_ =	shalt  }
0x60: {  	_ =	shalt  }
0x61: {  	_ =	shalt  }
0x62: {  	_ =	shalt  }
0x63: {  	_ =	shalt  }
0x64: {  	_ =	shalt  }
0x65: {  	_ =	shalt  }
0x66: {  	_ =	shalt  }
0x67: {  	_ =	shalt  }
0x68: {  	_ =	shalt  }
0x69: {  	_ =	shalt  }
0x6a: {  	_ =	shalt  }
0x6b: {  	_ =	shalt  }
0x6c: {  	_ =	shalt  }
0x6d: {  	_ =	shalt  }
0x6e: {  	_ =	shalt  }
0x6f: {  	_ =	shalt  }
0x70: {  	_ =	shalt  }
0x71: {  	_ =	shalt  }
0x72: {  	_ =	shalt  }
0x73: {  	_ =	shalt  }
0x74: {  	_ =	shalt  }
0x75: {  	_ =	shalt  }
0x76: {  	_ =	shalt  }
0x77: {  	_ =	shalt  }
0x78: {  	_ =	shalt  }
0x79: {  	_ =	shalt  }
0x7a: {  	_ =	shalt  }
0x7b: {  	_ =	shalt  }
0x7c: {  	_ =	shalt  }
0x7d: {  	_ =	shalt  }
0x7e: {  	_ =	shalt  }
0x7f: {  	_ =	shalt  }
0x80: {  	_ =	shalt  }
0x81: {  	_ =	shalt  }
0x82: {  	_ =	shalt  }
0x83: {  	_ =	shalt  }
0x84: {  	_ =	shalt  }
0x85: {  	_ =	shalt  }
0x86: {  	_ =	shalt  }
0x87: {  	_ =	shalt  }
.Lfunc_end0:
.L_simem_size_0:
called_computation.1_lowered:
.L_overlay_start_0:
0x88: {  	s2 =	sld [smem:$0x3FD9]  }
0x89: {  	s3 =	sld [smem:$0x3FFE];
	_ =	sdelay $0x1  }
0x8a: {  	s1 =	srdreg.scid  }
0x8b: {  	s0 =	sand.u32 $0x1, s1  }
0x8c: {  	s17 =	sshll.u32 s0, $0xA;
	s2 =	sadd.s32 s3, s2  }
0x8d: {  	s2 =	sadd.s32 s2, s17  }
0x8e: {  	[smem:$0x3FC5] =	sst s2  }
0x8f: {  	_ = 	snop  }
0x90: {  	s2 =	sld [smem:$0x3FD0];
	(tm) =	ssettm $0x1  }
0x91: {  	s18 =	sld [smem:$0x3FFB];
	_ =	sdelay $0x3  }
0x92: {  	_ =	strace s18  }
0x93: {  	s3 =	sld [smem:$0x3FFC];
	_ =	sdelay $0x3  }
0x94: {  	_ =	strace s3  }
0x95: {  	s3 =	sld [smem:$0x3FFD];
	_ =	sdelay $0x3  }
0x96: {  	_ =	strace s3  }
0x97: {  	_ =	strace $0x8FFFFFFF  }
0x98: {  	s19 =	sld [smem:$0x3FDB];
	_ =	sdelay $0x1  }
0x99: {  	s4 =	simm.s32 $_scs_section_size  }
0x9a: {  	s5 =	simm.s32 $_size__tile_overlayer_lowered;
	s6 =	simm.s32 $_tile_overlayer_lowered  }
0x9b: {  	s22 =	simm.s32 $0x1BFF;
	s21 =	sshll.u32 s6, $0x1;
	s3 =	sadd.s32 s4, s19  }
0x9c: {  	s7 =	simm.s32 $0x0;
	s20 =	sshll.u32 s5, $0x1;
	s5 =	sadd.s32 s21, s3  }
0x9d: {  	[timem:s7], [sflag:s22] =	dma.local [hbm:s5], s20  }
0x9e: {  	_ =	swait.ge [sflag:s22], s20  }
0x9f: {  	s4 =	ssub.s32 $0x0, s20;
	[sflag:s22] =	ssyncset.done $0x0  }
0xa0: {  	[sflag:s22] =	ssyncadd.s32 s4;
	_ =	sdelay $0x1  }
0xa1: {  	s23 =	simm.s32 $0x1B8B  }
0xa2: {  	_ =	swait.ge [sflag:s23], $0x1  }
0xa3: {  	[sflag:s23] =	ssyncset.done $0x0  }
0xa4: {  	s25 =	simm.s32 $0x1B8E;
	s24 =	sld [smem:$0x3FFE];
	[sflag:s23] =	ssyncadd.s32 $0xFFFFFFFF  }
0xa5: {  	s26 =	simm.s32 $execute0_lowered;
	[smem:$0x3FD2] =	sst s25  }
0xa6: {  	s5 =	sshll.u32 s26, $0x1;
	_ =	strace $0x80000046;
	[dreg:$0x1] =	wrdreg $0xFFFFFFFF  }
0xa7: {  	s28 =	simm.s32 $_size_execute0_lowered;
	s3 =	sadd.s32 s3, s5;
	[dreg:$0x0] =	wrdreg $0x0  }
0xa8: {  	s5 =	sshll.u32 s28, $0x1;
	[dreg:$0x2] =	wrdreg s3  }
0xa9: {  	[dreg:$0x3] =	wrdreg s5  }
0xaa: {  	[dreg:$0x4] =	wrdreg $0xC0  }
0xab: {  	_ =	task [dreg:s7], $0x5FFFF  }
0xac: {  	[dreg:$0x1] =	wrdreg $0xFFFFFFFF  }
0xad: {  	[dreg:$0x0] =	wrdreg $0x60  }
0xae: {  	[dreg:$0x2] =	wrdreg s24  }
0xaf: {  	[dreg:$0x3] =	wrdreg s2  }
0xb0: {  	[dreg:$0x4] =	wrdreg $0x9  }
0xb1: {  	_ =	task.clear_ibuf [dreg:s7], $0x5FFFF;
	_ =	strace $0x90000046  }
0xb2: {  	s29 =	simm.s32 $0x9;
	_ =	strace $0x80000048  }
0xb3: {  	_ =	swait.ge [sflag:s29], $0x1  }
0xb4: {  	[sflag:s29] =	ssyncadd.s32 $0xFFFFFFFF  }
0xb5: {  	_ =	strace $0x90000048  }
0xb6: {  	_ =	sfence  }
0xb7: {  	s30 =	sld [smem:$0x0];
	_ =	sdelay $0x2  }
0xb8: {  	s31 =	sshll.u32 s1, $0xD;
	s1 =	sshrl.u32 s1, $0x2  }
0xb9: {  	s3 =	sand.u32 $0x4000, s31;
	s1 =	sadd.s32 s1, s30  }
0xba: {  	s0 =	sor.u32 s3, s0;
	s1 =	sshll.u32 s1, $0x11  }
0xbb: {  	s0 =	sor.u32 s1, s0  }
0xbc: {  	s0 =	sadd.s32 $0x8F2B, s0  }
0xbd: {  	[sflag:s0] =	ssyncadd.remote.s32 $0x1  }
0xbe: {  	_ =	sfence.sel $0xFFFF  }
0xbf: {  	[dreg:$0x0] =	wrdreg $0xFFFFFFFF;
	(pc) =	sbr.abs _section_cstart, $3  }
0xc0: {  	[dreg:$0x1] =	wrdreg $0xFFFFFFFF  }
0xc1: {  	_ =	task.clear_ibuf [dreg:s7], $0x2FFFF;
	_ =	strace $0x9FFFFFFF  }
0xc2: {  	(tm) =	ssettm $0x7FFFFFFF  }
0xc3: {  	_ =	shalt  }
tec
execute0_lowered:
.L_overlay_start_1:
0x0: {  	(tag) =	ssettag $0x1  }
0x1: {  	s0 =	rddreg [dreg:$0x0]  }
0x2: {  	s1 =	srdreg.scid;
	s3 =	stileid.u32  }
0x3: {  	s2 =	rddreg [dreg:$0x1];
	s11 =	simm.s32 $0x3;
	s13 =	simm.s32 $0x80  }
0x4: {  	s14 =	simm.s32 $0xCF00;
	s16 =	simm.s32 $0x4;
	s18 =	simm.s32 $0x5  }
0x5: {  	s19 =	simm.s32 $0x12F00;
	s1 =	sand.u32 $0x1, s1;
	s4 =	sshll.u32 s3, $0x1  }
0x6: {  	s20 =	simm.s32 $0x6;
	s21 =	simm.s32 $0x14F00;
	s4 =	sor.u32 s1, s4  }
0x7: {  	s23 =	simm.s32 $0x1;
	s3 =	simm.s32 $0x0;
	s4 =	smul.u32 $0x6400, s4  }
0x8: {  	s5 =	sadd.s32 $0xF43000, s0;
	[smem:$0x7FF] =	sst s3;
	s1 =	ssub.s32 $0x2, s1  }
.Ltmp0:
0x9: {  	_ =	strace $0x80000047;
	s6 =	sshrl.u32 s4, $0x3;
	(pc) =	sbr.rel .LBB2_1-.Ltmp0, $4  }
0xa: {  	s7 =	sshrl.u32 s1, $0x1;
	s6 =	sadd.s32 s6, s0;
	s0 =	sadd.s32 $0x19C00, s0  }
0xb: {  	s29 =	ssub.s32 s1, s7;
	[dreg:$0x3] =	wrdreg s0;
	s30 =	sadd.s32 $0xC00, s6  }
0xc: {  	s26 =	simm.s32 $0x2;
	s0 =	smax.u32 s29, $0x1;
	[dreg:$0x4] =	wrdreg s30  }
0xd: {  	s31 =	simm.s32 $0x8;
	s6 =	simm.s32 $0x0;
	[dreg:$0x5] =	wrdreg s0  }
.LBB2_34:
0xe: {  	s0 =	simm.s32 $0xB  }
0xf: {  	_ =	swait.ge [sflag:s0], $0x2000  }
0x10: {  	[sflag:s0] =	ssyncset.done $0x0  }
0x11: {  	s25 =	simm.s32 $0xC;
	[sflag:s0] =	ssyncadd.s32 $0xFFFFE000  }
0x12: {  	_ =	swait.ge [sflag:s25], $0x2000  }
0x13: {  	[sflag:s25] =	ssyncset.done $0x0  }
0x14: {  	s28 =	simm.s32 $0x7;
	[sflag:s25] =	ssyncadd.s32 $0xFFFFE000  }
0x15: {  	_ =	swait.ge [sflag:s28], $0x2000  }
0x16: {  	[sflag:s28] =	ssyncset.done $0x0  }
0x17: {  	[sflag:s28] =	ssyncadd.s32 $0xFFFFE000  }
0x18: {  	_ =	swait.ge [sflag:s31], $0x2000  }
0x19: {  	[sflag:s31] =	ssyncset.done $0x0  }
0x1a: {  	s29 =	simm.s32 $0x9;
	[sflag:s31] =	ssyncadd.s32 $0xFFFFE000  }
0x1b: {  	_ =	swait.ge [sflag:s29], $0x2000  }
0x1c: {  	[sflag:s29] =	ssyncset.done $0x0  }
0x1d: {  	s1 =	simm.s32 $0xA;
	[sflag:s29] =	ssyncadd.s32 $0xFFFFE000  }
0x1e: {  	_ =	swait.ge [sflag:s1], $0x2000  }
0x1f: {  	s6 =	rddreg [dreg:$0x6]  }
0x20: {  	s30 =	rddreg [dreg:$0x5];
	s6 =	sadd.s32 $0x1, s6  }
0x21: {  	p0 =	sne.s32 s6, s30  }
.Ltmp1:
0x22: {  	_ = 	snop;
	(pc) =	sbr.rel @!p0 .LBB2_35-.Ltmp1, $3  }
0x23: {  	_ =	sdelay $0x1  }
0x24: {  	[sflag:s1] =	ssyncset.done $0x0  }
0x25: {  	[sflag:s1] =	ssyncadd.s32 $0xFFFFE000  }
.LBB2_1:
0x26: {  	[dreg:$0x6] =	wrdreg s6  }
0x27: {  	s0 =	rddreg [dreg:$0x4];
	s1 =	simm.s32 $0xD  }
0x28: {  	[tilespmem:s3], [sflag:$0xD] =	stream.linear.gather [hbm4b:s0+s3], $0x6400, $0x38;
	[tilespmem:$0x16F00] =	vst v63  }
0x29: {  	_ =	swait.ge [sflag:s1], $0x6400  }
0x2a: {  	[sflag:s1] =	ssyncset.done $0x0  }
0x2b: {  	s25 =	simm.s32 $0x6400;
	s24 =	rddreg [dreg:$0x3];
	[sflag:s1] =	ssyncadd.s32 $0xFFFF9C00  }
0x2c: {  	[tilespmem:s25], [sflag:$0xD] =	stream.linear.gather [hbm4b:s24+s3], $0x4B00, $0x38;
	[tilespmem:$0x16F00] =	vst v63  }
0x2d: {  	s6 =	simm.s32 $0xFE00;
	s7 =	simm.s32 $0x6470;
	_ =	swait.ge [sflag:s1], $0x4B00  }
0x2e: {  	s8 =	simm.s32 $0x8470;
	s28 =	simm.s32 $0x100;
	[sflag:s1] =	ssyncset.done $0x0  }
0x2f: {  	s29 =	simm.s32 $0x0;
	s30 =	simm.s32 $0x0;
	[sflag:s1] =	ssyncadd.s32 $0xFFFFB500  }
.LBB2_2:
0x30: {  	s0 =	smul.u32 $0x6, s30;
	_ =	sdelay $0x1  }
0x31: {  	s1 =	sadd.s32 $0xFFFFFFFA, s0  }
0x32: {  	p1 =	sgt.u32 s1, $0x5D  }
0x33: {  	p0 =	seq.s32 s30, $0x11;
	s1 =	simm.s32 @!p1 $0x7  }
0x34: {  	s9 =	smul.u32 @!p0 $0x1800, s30;
	_ =	swait.ge @!p1 [sflag:s1], $0x2000  }
0x35: {  	s10 =	simm.s32 @!p0 $0xAF00;
	[sflag:s1] =	ssyncset.done @!p1 $0x0  }
0x36: {  	s9 =	sshra.s32 @!p0 s9, $0x2;
	[sflag:s1] =	ssyncadd.s32 @!p1 $0xFFFFE000;
	s1 =	simm.s32 @!p0 $0x80  }
0x37: {  	[tilespmem:s10], [sflag:$0x1] =	stream.indirect.gather @!p0 [hbm4b:s5+s1], $0x20, s9, s1, $0xb8;
	[tilespmem:$0x16F00] =	vst v63  }
0x38: {  	s12 =	simm.s32 @!p0 $0xBF00;
	s10 =	sor.u32 @!p0 $0x80, s9  }
0x39: {  	[tilespmem:s12], [sflag:$0x1] =	stream.indirect.gather @!p0 [hbm4b:s5+s1], $0x20, s10, s1, $0xb8;
	[tilespmem:$0x16F00] =	vst v63  }
0x3a: {  	s1 =	sadd.s32 @!p0 $0xFFFFFFFC, s0  }
0x3b: {  	p1 =	sgt.u32 @!p0 s1, $0x63  }
0x3c: {  	p2 =	por p0, !p1  }
.Ltmp2:
0x3d: {  	_ = 	snop;
	(pc) =	sbr.rel @!p2 .LBB2_6-.Ltmp2, $2  }
0x3e: {  	_ =	sdelay $0x2  }
0x3f: {  	p1 =	por @!p0 $0x0, $0x0  }
0x40: {  	s1 =	simm.s32 @p0 $0x62  }
0x41: {  	s10 =	sshll.u32 s1, $0x5  }
0x42: {  	s10 =	sand.u32 $0x1FE0, s10  }
0x43: {  	s10 =	smul.u32 $0x147B, s10;
	_ =	sdelay $0x1  }
0x44: {  	_ =	swait.ge [sflag:s11], $0x1000;
	s10 =	sshrl.u32 s10, $0x11  }
0x45: {  	[sflag:s11] =	ssyncset.done $0x0;
	s10 =	smul.u32 $0xC8, s10  }
0x46: {  	s12 =	sshll.u32 s1, $0x8;
	[sflag:s11] =	ssyncadd.s32 $0xFFFFF000  }
0x47: {  	_ =	swait.ge [sflag:s11], $0x1000;
	s10 =	ssub.s32 s12, s10  }
0x48: {  	[sflag:s11] =	ssyncset.done $0x0;
	s10 =	sand.u32 $0xFFF8, s10  }
0x49: {  	[sflag:s11] =	ssyncadd.s32 $0xFFFFF000;
	s15 =	sshll.u32 s10, $0x5;
	s10 =	simm.s32 $0xEF40  }
0x4a: {  	s15 =	sadd.s32 $0x6440, s15;
	v0 =	vld [tilespmem:s10+$0xFFFFFFC0]  }
0x4b: {  	v1 =	vld [tilespmem:s15+$0xFFFFFFC0];
	_ =	sdelay $0x4  }
0x4c: {  	v0 =	vadd.f32 v1, v0;
	_ =	sdelay $0x1  }
0x4d: {  	[tilespmem:s10+$0xFFFFFFC0] =	vst v0;
	v0 =	vld [tilespmem:s10+$0xFFFFFFD0]  }
0x4e: {  	v1 =	vld [tilespmem:s15+$0xFFFFFFD0];
	_ =	sdelay $0x4  }
0x4f: {  	v0 =	vadd.f32 v1, v0;
	_ =	sdelay $0x1  }
0x50: {  	[tilespmem:s10+$0xFFFFFFD0] =	vst v0;
	v0 =	vld [tilespmem:s10+$0xFFFFFFE0]  }
0x51: {  	v1 =	vld [tilespmem:s15+$0xFFFFFFE0];
	_ =	sdelay $0x4  }
0x52: {  	v0 =	vadd.f32 v1, v0;
	_ =	sdelay $0x1  }
0x53: {  	[tilespmem:s10+$0xFFFFFFE0] =	vst v0;
	v0 =	vld [tilespmem:s10+$0xFFFFFFF0]  }
0x54: {  	v1 =	vld [tilespmem:s15+$0xFFFFFFF0];
	_ =	sdelay $0x4  }
0x55: {  	v0 =	vadd.f32 v1, v0;
	_ =	sdelay $0x1  }
0x56: {  	[tilespmem:s10+$0xFFFFFFF0] =	vst v0;
	v0 =	vld [tilespmem:s10+$0x0]  }
0x57: {  	v1 =	vld [tilespmem:s15+$0x0];
	_ =	sdelay $0x4  }
0x58: {  	v0 =	vadd.f32 v1, v0;
	_ =	sdelay $0x1  }
0x59: {  	[tilespmem:s10+$0x0] =	vst v0;
	v0 =	vld [tilespmem:s10+$0x10]  }
0x5a: {  	v1 =	vld [tilespmem:s15+$0x10];
	_ =	sdelay $0x4  }
0x5b: {  	v0 =	vadd.f32 v1, v0;
	_ =	sdelay $0x1  }
0x5c: {  	[tilespmem:s10+$0x10] =	vst v0;
	v0 =	vld [tilespmem:s10+$0x20]  }
0x5d: {  	v1 =	vld [tilespmem:s15+$0x20];
	_ =	sdelay $0x4  }
0x5e: {  	v0 =	vadd.f32 v1, v0;
	_ =	sdelay $0x1  }
0x5f: {  	[tilespmem:s10+$0x20] =	vst v0;
	v0 =	vld [tilespmem:s10+$0x30]  }
0x60: {  	v1 =	vld [tilespmem:s15+$0x30];
	_ =	sdelay $0x4  }
0x61: {  	v0 =	vadd.f32 v1, v0  }
0x62: {  	s17 =	simm.s32 $0x0;
	s22 =	simm.s32 $0xEFC0  }
.LBB2_4:
0x63: {  	v1 =	vld [tilespmem:s22+$0xFFFFFFC0];
	[tilespmem:s10+$0x30] =	vst v0;
	s15 =	sadd.s32 $0x80, s15;
	s10 =	smov.u32 s22  }
0x64: {  	s17 =	sadd.s32 $0x4, s17;
	v0 =	vld [tilespmem:s15+$0xFFFFFFC0]  }
0x65: {  	p1 =	slt.u32 s17, $0xFC;
	_ =	sdelay $0x3  }
0x66: {  	v0 =	vadd.f32 v0, v1;
	_ =	sdelay $0x1  }
0x67: {  	[tilespmem:s22+$0xFFFFFFC0] =	vst v0;
	v0 =	vld [tilespmem:s22+$0xFFFFFFD0]  }
0x68: {  	v1 =	vld [tilespmem:s15+$0xFFFFFFD0];
	_ =	sdelay $0x4  }
0x69: {  	v0 =	vadd.f32 v1, v0;
	_ =	sdelay $0x1  }
0x6a: {  	[tilespmem:s22+$0xFFFFFFD0] =	vst v0;
	v0 =	vld [tilespmem:s22+$0xFFFFFFE0]  }
0x6b: {  	v1 =	vld [tilespmem:s15+$0xFFFFFFE0];
	_ =	sdelay $0x4  }
0x6c: {  	v0 =	vadd.f32 v1, v0;
	_ =	sdelay $0x1  }
0x6d: {  	[tilespmem:s22+$0xFFFFFFE0] =	vst v0;
	v0 =	vld [tilespmem:s22+$0xFFFFFFF0]  }
0x6e: {  	v1 =	vld [tilespmem:s15+$0xFFFFFFF0];
	_ =	sdelay $0x4  }
0x6f: {  	v0 =	vadd.f32 v1, v0;
	_ =	sdelay $0x1  }
0x70: {  	[tilespmem:s22+$0xFFFFFFF0] =	vst v0;
	v0 =	vld [tilespmem:s22+$0x0]  }
0x71: {  	v1 =	vld [tilespmem:s15+$0x0];
	_ =	sdelay $0x4  }
0x72: {  	v0 =	vadd.f32 v1, v0;
	_ =	sdelay $0x1  }
0x73: {  	[tilespmem:s22+$0x0] =	vst v0;
	v0 =	vld [tilespmem:s22+$0x10]  }
0x74: {  	v1 =	vld [tilespmem:s15+$0x10];
	_ =	sdelay $0x4  }
0x75: {  	v0 =	vadd.f32 v1, v0;
	_ =	sdelay $0x1  }
0x76: {  	[tilespmem:s22+$0x10] =	vst v0;
	v0 =	vld [tilespmem:s22+$0x20]  }
0x77: {  	v1 =	vld [tilespmem:s15+$0x20];
	_ =	sdelay $0x4  }
0x78: {  	v0 =	vadd.f32 v1, v0;
	_ =	sdelay $0x1  }
0x79: {  	[tilespmem:s22+$0x20] =	vst v0;
	v0 =	vld [tilespmem:s22+$0x30]  }
0x7a: {  	v1 =	vld [tilespmem:s15+$0x30];
	_ =	sdelay $0x1  }
.Ltmp3:
0x7b: {  	(pc) =	sbr.rel @p1 .LBB2_4-.Ltmp3, $3  }
0x7c: {  	_ =	sdelay $0x1  }
0x7d: {  	v0 =	vadd.f32 v1, v0  }
0x7e: {  	s22 =	sadd.s32 $0x80, s22  }
0x7f: {  	s12 =	sadd.s32 s4, s12  }
0x80: {  	s12 =	sshll.u32 s12, $0x2  }
0x81: {  	s12 =	sand.u32 $0x1FFFF800, s12  }
0x82: {  	[tilespmem:s10+$0x30] =	vst v0;
	s25 =	simm.s32 $0xEF00;
	p1 =	slt.u32 s1, $0x5E;
	s24 =	sadd.s32 s2, s12  }
0x83: {  	[hbm4b:s24+s3] =	stream.linear.scatter [tilespmem:s25], [sflag:$0x9], $0x2000, $0x38;
	[tilespmem:$0x16F00] =	vst v63  }
.LBB2_6:
0x84: {  	p2 =	seq.s32 s30, $0x0  }
.Ltmp4:
0x85: {  	_ = 	snop;
	(pc) =	sbr.rel @p2 .LBB2_9-.Ltmp4, $2  }
0x86: {  	_ =	sdelay $0x2  }
0x87: {  	s1 =	sor.u32 $0x1, s0  }
.Ltmp5:
0x88: {  	(pc) =	sbr.rel @p0 .LBB2_10-.Ltmp5, $2  }
0x89: {  	_ =	sdelay $0x2  }
0x8a: {  	s10 =	simm.s32 $0x63  }
0x8b: {  	_ =	swait.ge [sflag:s31], $0x2000  }
0x8c: {  	[sflag:s31] =	ssyncset.done $0x0  }
0x8d: {  	[sflag:s31] =	ssyncadd.s32 $0xFFFFE000  }
.LBB2_9:
0x8e: {  	s10 =	sshll.u32 s1, $0x8  }
0x8f: {  	s10 =	sand.u32 $0x3FFFFF00, s10  }
0x90: {  	[tilespmem:s14], [sflag:$0x2] =	stream.indirect.gather [hbm4b:s5+s13], $0x20, s10, s13, $0xb8;
	[tilespmem:$0x16F00] =	vst v63  }
0x91: {  	s12 =	simm.s32 $0xDF00;
	s10 =	sor.u32 $0x80, s10  }
0x92: {  	[tilespmem:s12], [sflag:$0x2] =	stream.indirect.gather [hbm4b:s5+s13], $0x20, s10, s13, $0xb8;
	[tilespmem:$0x16F00] =	vst v63  }
0x93: {  	s10 =	sadd.s32 $0xFFFFFFFD, s0  }
0x94: {  	p2 =	sgt.u32 s10, $0x63  }
.Ltmp6:
0x95: {  	_ = 	snop;
	(pc) =	sbr.rel @p2 .LBB2_13-.Ltmp6, $1  }
0x96: {  	_ =	sdelay $0x3  }
.LBB2_10:
0x97: {  	s12 =	sshll.u32 s10, $0x5  }
0x98: {  	s12 =	sand.u32 $0x1FE0, s12  }
0x99: {  	s12 =	smul.u32 $0x147B, s12;
	_ =	sdelay $0x1  }
0x9a: {  	_ =	swait.ge [sflag:s16], $0x1000;
	s12 =	sshrl.u32 s12, $0x11  }
0x9b: {  	[sflag:s16] =	ssyncset.done $0x0;
	s15 =	smul.u32 $0xC8, s12  }
0x9c: {  	[sflag:s16] =	ssyncadd.s32 $0xFFFFF000;
	s12 =	sshll.u32 s10, $0x8  }
0x9d: {  	_ =	swait.ge [sflag:s16], $0x1000;
	s10 =	ssub.s32 s12, s15  }
0x9e: {  	[sflag:s16] =	ssyncset.done $0x0;
	s10 =	sand.u32 $0xFFF8, s10  }
0x9f: {  	[sflag:s16] =	ssyncadd.s32 $0xFFFFF000;
	s25 =	sshll.u32 s10, $0x5;
	s10 =	simm.s32 $0x10F40  }
0xa0: {  	s15 =	sadd.s32 $0x6440, s25;
	v0 =	vld [tilespmem:s10+$0xFFFFFFC0]  }
0xa1: {  	v1 =	vld [tilespmem:s15+$0xFFFFFFC0];
	_ =	sdelay $0x4  }
0xa2: {  	v0 =	vadd.f32 v1, v0;
	_ =	sdelay $0x1  }
0xa3: {  	[tilespmem:s10+$0xFFFFFFC0] =	vst v0;
	v0 =	vld [tilespmem:s10+$0xFFFFFFD0]  }
0xa4: {  	v1 =	vld [tilespmem:s15+$0xFFFFFFD0];
	_ =	sdelay $0x4  }
0xa5: {  	v0 =	vadd.f32 v1, v0;
	_ =	sdelay $0x1  }
0xa6: {  	[tilespmem:s10+$0xFFFFFFD0] =	vst v0;
	v0 =	vld [tilespmem:s10+$0xFFFFFFE0]  }
0xa7: {  	v1 =	vld [tilespmem:s15+$0xFFFFFFE0];
	_ =	sdelay $0x4  }
0xa8: {  	v0 =	vadd.f32 v1, v0;
	_ =	sdelay $0x1  }
0xa9: {  	[tilespmem:s10+$0xFFFFFFE0] =	vst v0;
	v0 =	vld [tilespmem:s10+$0xFFFFFFF0]  }
0xaa: {  	v1 =	vld [tilespmem:s15+$0xFFFFFFF0];
	_ =	sdelay $0x4  }
0xab: {  	v0 =	vadd.f32 v1, v0;
	_ =	sdelay $0x1  }
0xac: {  	[tilespmem:s10+$0xFFFFFFF0] =	vst v0;
	v0 =	vld [tilespmem:s10+$0x0]  }
0xad: {  	v1 =	vld [tilespmem:s15+$0x0];
	_ =	sdelay $0x4  }
0xae: {  	v0 =	vadd.f32 v1, v0;
	_ =	sdelay $0x1  }
0xaf: {  	[tilespmem:s10+$0x0] =	vst v0;
	v0 =	vld [tilespmem:s10+$0x10]  }
0xb0: {  	v1 =	vld [tilespmem:s15+$0x10];
	_ =	sdelay $0x4  }
0xb1: {  	v0 =	vadd.f32 v1, v0;
	_ =	sdelay $0x1  }
0xb2: {  	[tilespmem:s10+$0x10] =	vst v0;
	v0 =	vld [tilespmem:s10+$0x20]  }
0xb3: {  	v1 =	vld [tilespmem:s15+$0x20];
	_ =	sdelay $0x4  }
0xb4: {  	v0 =	vadd.f32 v1, v0;
	_ =	sdelay $0x1  }
0xb5: {  	[tilespmem:s10+$0x20] =	vst v0;
	v0 =	vld [tilespmem:s10+$0x30]  }
0xb6: {  	v1 =	vld [tilespmem:s15+$0x30];
	_ =	sdelay $0x4  }
0xb7: {  	v0 =	vadd.f32 v1, v0  }
0xb8: {  	s17 =	simm.s32 $0x0;
	s22 =	simm.s32 $0x10FC0  }
.LBB2_11:
0xb9: {  	v1 =	vld [tilespmem:s22+$0xFFFFFFC0];
	[tilespmem:s10+$0x30] =	vst v0;
	s15 =	sadd.s32 $0x80, s15;
	s10 =	smov.u32 s22  }
0xba: {  	s17 =	sadd.s32 $0x4, s17;
	v0 =	vld [tilespmem:s15+$0xFFFFFFC0]  }
0xbb: {  	p2 =	slt.u32 s17, $0xFC;
	_ =	sdelay $0x3  }
0xbc: {  	v0 =	vadd.f32 v0, v1;
	_ =	sdelay $0x1  }
0xbd: {  	[tilespmem:s22+$0xFFFFFFC0] =	vst v0;
	v0 =	vld [tilespmem:s22+$0xFFFFFFD0]  }
0xbe: {  	v1 =	vld [tilespmem:s15+$0xFFFFFFD0];
	_ =	sdelay $0x4  }
0xbf: {  	v0 =	vadd.f32 v1, v0;
	_ =	sdelay $0x1  }
0xc0: {  	[tilespmem:s22+$0xFFFFFFD0] =	vst v0;
	v0 =	vld [tilespmem:s22+$0xFFFFFFE0]  }
0xc1: {  	v1 =	vld [tilespmem:s15+$0xFFFFFFE0];
	_ =	sdelay $0x4  }
0xc2: {  	v0 =	vadd.f32 v1, v0;
	_ =	sdelay $0x1  }
0xc3: {  	[tilespmem:s22+$0xFFFFFFE0] =	vst v0;
	v0 =	vld [tilespmem:s22+$0xFFFFFFF0]  }
0xc4: {  	v1 =	vld [tilespmem:s15+$0xFFFFFFF0];
	_ =	sdelay $0x4  }
0xc5: {  	v0 =	vadd.f32 v1, v0;
	_ =	sdelay $0x1  }
0xc6: {  	[tilespmem:s22+$0xFFFFFFF0] =	vst v0;
	v0 =	vld [tilespmem:s22+$0x0]  }
0xc7: {  	v1 =	vld [tilespmem:s15+$0x0];
	_ =	sdelay $0x4  }
0xc8: {  	v0 =	vadd.f32 v1, v0;
	_ =	sdelay $0x1  }
0xc9: {  	[tilespmem:s22+$0x0] =	vst v0;
	v0 =	vld [tilespmem:s22+$0x10]  }
0xca: {  	v1 =	vld [tilespmem:s15+$0x10];
	_ =	sdelay $0x4  }
0xcb: {  	v0 =	vadd.f32 v1, v0;
	_ =	sdelay $0x1  }
0xcc: {  	[tilespmem:s22+$0x10] =	vst v0;
	v0 =	vld [tilespmem:s22+$0x20]  }
0xcd: {  	v1 =	vld [tilespmem:s15+$0x20];
	_ =	sdelay $0x4  }
0xce: {  	v0 =	vadd.f32 v1, v0;
	_ =	sdelay $0x1  }
0xcf: {  	[tilespmem:s22+$0x20] =	vst v0;
	v0 =	vld [tilespmem:s22+$0x30]  }
0xd0: {  	v1 =	vld [tilespmem:s15+$0x30];
	_ =	sdelay $0x1  }
.Ltmp7:
0xd1: {  	(pc) =	sbr.rel @p2 .LBB2_11-.Ltmp7, $3  }
0xd2: {  	_ =	sdelay $0x1  }
0xd3: {  	v0 =	vadd.f32 v1, v0  }
0xd4: {  	s22 =	sadd.s32 $0x80, s22  }
0xd5: {  	s12 =	sadd.s32 s4, s12  }
0xd6: {  	s12 =	sshll.u32 s12, $0x2  }
0xd7: {  	s12 =	sand.u32 $0x1FFFFC00, s12  }
0xd8: {  	[tilespmem:s10+$0x30] =	vst v0;
	s25 =	simm.s32 $0x10F00;
	s24 =	sadd.s32 s2, s12  }
0xd9: {  	[hbm4b:s24+s3] =	stream.linear.scatter [tilespmem:s25], [sflag:$0xA], $0x2000, $0x38;
	[tilespmem:$0x16F00] =	vst v63  }
.LBB2_13:
0xda: {  	s10 =	simm.s32 @p1 $0x9;
	s17 =	sadd.s32 @!p0 $0xFFFFFFFE, s0  }
0xdb: {  	s22 =	simm.s32 @!p0 $0x80;
	_ =	swait.ge @p1 [sflag:s10], $0x2000;
	p2 =	sgt.u32 @!p0 s17, $0x63  }
0xdc: {  	s12 =	simm.s32 @!p0 $0xEF00;
	[sflag:s10] =	ssyncset.done @p1 $0x0;
	p2 =	por p0, p2  }
.Ltmp8:
0xdd: {  	[sflag:s10] =	ssyncadd.s32 @p1 $0xFFFFE000;
	s10 =	sadd.s32 @!p0 $0x200, s9;
	(pc) =	sbr.rel @p2 .LBB2_14-.Ltmp8, $4  }
0xde: {  	[tilespmem:s12], [sflag:$0x3] =	stream.indirect.gather @!p0 [hbm4b:s5+s22], $0x20, s10, s22, $0xb8;
	[tilespmem:$0x16F00] =	vst v63  }
0xdf: {  	s25 =	sand.u32 $0xFFFF, s6;
	s10 =	sadd.s32 @!p0 $0x280, s9;
	s12 =	simm.s32 @!p0 $0xFF00  }
0xe0: {  	[tilespmem:s12], [sflag:$0x3] =	stream.indirect.gather @!p0 [hbm4b:s5+s22], $0x20, s10, s22, $0xb8;
	[tilespmem:$0x16F00] =	vst v63  }
0xe1: {  	s12 =	sshll.u32 s25, $0x7  }
0xe2: {  	s10 =	smulhi.u32 $0x147AE15, s25;
	_ =	swait.ge [sflag:s18], $0x1000  }
0xe3: {  	[sflag:s18] =	ssyncset.done $0x0  }
0xe4: {  	s10 =	smul.u32 $0x6400, s10;
	[sflag:s18] =	ssyncadd.s32 $0xFFFFF000  }
0xe5: {  	_ =	swait.ge [sflag:s18], $0x1000  }
0xe6: {  	s10 =	ssub.s32 s12, s10;
	[sflag:s18] =	ssyncset.done $0x0  }
0xe7: {  	s15 =	sshra.s32 s10, $0x2;
	[sflag:s18] =	ssyncadd.s32 $0xFFFFF000;
	s10 =	simm.s32 $0x12F40  }
0xe8: {  	s15 =	sadd.s32 $0x6440, s15;
	v0 =	vld [tilespmem:s10+$0xFFFFFFC0]  }
0xe9: {  	v1 =	vld [tilespmem:s15+$0xFFFFFFC0];
	_ =	sdelay $0x4  }
0xea: {  	v0 =	vadd.f32 v1, v0;
	_ =	sdelay $0x1  }
0xeb: {  	[tilespmem:s10+$0xFFFFFFC0] =	vst v0;
	v0 =	vld [tilespmem:s10+$0xFFFFFFD0]  }
0xec: {  	v1 =	vld [tilespmem:s15+$0xFFFFFFD0];
	_ =	sdelay $0x4  }
0xed: {  	v0 =	vadd.f32 v1, v0;
	_ =	sdelay $0x1  }
0xee: {  	[tilespmem:s10+$0xFFFFFFD0] =	vst v0;
	v0 =	vld [tilespmem:s10+$0xFFFFFFE0]  }
0xef: {  	v1 =	vld [tilespmem:s15+$0xFFFFFFE0];
	_ =	sdelay $0x4  }
0xf0: {  	v0 =	vadd.f32 v1, v0;
	_ =	sdelay $0x1  }
0xf1: {  	[tilespmem:s10+$0xFFFFFFE0] =	vst v0;
	v0 =	vld [tilespmem:s10+$0xFFFFFFF0]  }
0xf2: {  	v1 =	vld [tilespmem:s15+$0xFFFFFFF0];
	_ =	sdelay $0x4  }
0xf3: {  	v0 =	vadd.f32 v1, v0;
	_ =	sdelay $0x1  }
0xf4: {  	[tilespmem:s10+$0xFFFFFFF0] =	vst v0;
	v0 =	vld [tilespmem:s10+$0x0]  }
0xf5: {  	v1 =	vld [tilespmem:s15+$0x0];
	_ =	sdelay $0x4  }
0xf6: {  	v0 =	vadd.f32 v1, v0;
	_ =	sdelay $0x1  }
0xf7: {  	[tilespmem:s10+$0x0] =	vst v0;
	v0 =	vld [tilespmem:s10+$0x10]  }
0xf8: {  	v1 =	vld [tilespmem:s15+$0x10];
	_ =	sdelay $0x4  }
0xf9: {  	v0 =	vadd.f32 v1, v0;
	_ =	sdelay $0x1  }
0xfa: {  	[tilespmem:s10+$0x10] =	vst v0;
	v0 =	vld [tilespmem:s10+$0x20]  }
0xfb: {  	v1 =	vld [tilespmem:s15+$0x20];
	_ =	sdelay $0x4  }
0xfc: {  	v0 =	vadd.f32 v1, v0;
	_ =	sdelay $0x1  }
0xfd: {  	[tilespmem:s10+$0x20] =	vst v0;
	v0 =	vld [tilespmem:s10+$0x30]  }
0xfe: {  	v1 =	vld [tilespmem:s15+$0x30];
	_ =	sdelay $0x4  }
0xff: {  	v0 =	vadd.f32 v1, v0  }
0x100: {  	s17 =	sshll.u32 s17, $0x8;
	s24 =	simm.s32 $0x0;
	s19 =	simm.s32 $0x12FC0  }
.LBB2_16:
0x101: {  	v1 =	vld [tilespmem:s19+$0xFFFFFFC0];
	[tilespmem:s10+$0x30] =	vst v0;
	s15 =	sadd.s32 $0x80, s15;
	s10 =	smov.u32 s19  }
0x102: {  	s24 =	sadd.s32 $0x4, s24;
	v0 =	vld [tilespmem:s15+$0xFFFFFFC0]  }
0x103: {  	p2 =	slt.u32 s24, $0xFC;
	_ =	sdelay $0x3  }
0x104: {  	v0 =	vadd.f32 v0, v1;
	_ =	sdelay $0x1  }
0x105: {  	[tilespmem:s19+$0xFFFFFFC0] =	vst v0;
	v0 =	vld [tilespmem:s19+$0xFFFFFFD0]  }
0x106: {  	v1 =	vld [tilespmem:s15+$0xFFFFFFD0];
	_ =	sdelay $0x4  }
0x107: {  	v0 =	vadd.f32 v1, v0;
	_ =	sdelay $0x1  }
0x108: {  	[tilespmem:s19+$0xFFFFFFD0] =	vst v0;
	v0 =	vld [tilespmem:s19+$0xFFFFFFE0]  }
0x109: {  	v1 =	vld [tilespmem:s15+$0xFFFFFFE0];
	_ =	sdelay $0x4  }
0x10a: {  	v0 =	vadd.f32 v1, v0;
	_ =	sdelay $0x1  }
0x10b: {  	[tilespmem:s19+$0xFFFFFFE0] =	vst v0;
	v0 =	vld [tilespmem:s19+$0xFFFFFFF0]  }
0x10c: {  	v1 =	vld [tilespmem:s15+$0xFFFFFFF0];
	_ =	sdelay $0x4  }
0x10d: {  	v0 =	vadd.f32 v1, v0;
	_ =	sdelay $0x1  }
0x10e: {  	[tilespmem:s19+$0xFFFFFFF0] =	vst v0;
	v0 =	vld [tilespmem:s19+$0x0]  }
0x10f: {  	v1 =	vld [tilespmem:s15+$0x0];
	_ =	sdelay $0x4  }
0x110: {  	v0 =	vadd.f32 v1, v0;
	_ =	sdelay $0x1  }
0x111: {  	[tilespmem:s19+$0x0] =	vst v0;
	v0 =	vld [tilespmem:s19+$0x10]  }
0x112: {  	v1 =	vld [tilespmem:s15+$0x10];
	_ =	sdelay $0x4  }
0x113: {  	v0 =	vadd.f32 v1, v0;
	_ =	sdelay $0x1  }
0x114: {  	[tilespmem:s19+$0x10] =	vst v0;
	v0 =	vld [tilespmem:s19+$0x20]  }
0x115: {  	v1 =	vld [tilespmem:s15+$0x20];
	_ =	sdelay $0x4  }
0x116: {  	v0 =	vadd.f32 v1, v0;
	_ =	sdelay $0x1  }
0x117: {  	[tilespmem:s19+$0x20] =	vst v0;
	v0 =	vld [tilespmem:s19+$0x30]  }
0x118: {  	v1 =	vld [tilespmem:s15+$0x30];
	_ =	sdelay $0x1  }
.Ltmp9:
0x119: {  	(pc) =	sbr.rel @p2 .LBB2_16-.Ltmp9, $3  }
0x11a: {  	_ =	sdelay $0x1  }
0x11b: {  	v0 =	vadd.f32 v1, v0  }
0x11c: {  	s19 =	sadd.s32 $0x80, s19  }
.Ltmp10:
0x11d: {  	s15 =	sadd.s32 s4, s17;
	(pc) =	sbr.rel .LBB2_18-.Ltmp10, $4  }
0x11e: {  	s15 =	sshll.u32 s15, $0x2  }
0x11f: {  	s15 =	sand.u32 $0x1FFFF800, s15  }
0x120: {  	[tilespmem:s10+$0x30] =	vst v0;
	s19 =	simm.s32 $0x12F00;
	p2 =	slt.u32 s30, $0x10;
	s24 =	sadd.s32 s2, s15  }
0x121: {  	[hbm4b:s24+s3] =	stream.linear.scatter [tilespmem:s19], [sflag:$0xB], $0x2000, $0x38;
	[tilespmem:$0x16F00] =	vst v63  }
.LBB2_14:
0x122: {  	p3 =	por @!p0 $0x0, $0x0;
	p2 =	por $0x0, $0x0  }
0x123: {  	p2 =	por @!p0 p3, p3  }
.LBB2_18:
0x124: {  	s10 =	simm.s32 @p1 $0xA  }
0x125: {  	_ =	swait.ge @p1 [sflag:s10], $0x2000  }
0x126: {  	[sflag:s10] =	ssyncset.done @p1 $0x0  }
0x127: {  	s15 =	simm.s32 @!p0 $0x10F00;
	[sflag:s10] =	ssyncadd.s32 @p1 $0xFFFFE000;
	s10 =	sadd.s32 @!p0 $0x300, s9  }
0x128: {  	[tilespmem:s15], [sflag:$0x4] =	stream.indirect.gather @!p0 [hbm4b:s5+s22], $0x20, s10, s22, $0xb8;
	[tilespmem:$0x16F00] =	vst v63  }
0x129: {  	s9 =	sadd.s32 @!p0 $0x380, s9;
	s10 =	simm.s32 @!p0 $0x11F00  }
0x12a: {  	[tilespmem:s10], [sflag:$0x4] =	stream.indirect.gather @!p0 [hbm4b:s5+s22], $0x20, s9, s22, $0xb8;
	[tilespmem:$0x16F00] =	vst v63  }
0x12b: {  	s10 =	sadd.s32 @!p0 $0xFFFFFFFF, s0  }
0x12c: {  	p1 =	sgt.u32 @!p0 s10, $0x63  }
0x12d: {  	p1 =	por p0, p1  }
.Ltmp11:
0x12e: {  	_ = 	snop;
	(pc) =	sbr.rel @p1 .LBB2_22-.Ltmp11, $1  }
0x12f: {  	_ =	sdelay $0x3  }
0x130: {  	s0 =	sadd.s32 $0x100, s25  }
0x131: {  	_ =	swait.ge [sflag:s20], $0x1000;
	s0 =	smulhi.u32 $0x147AE15, s0  }
0x132: {  	[sflag:s20] =	ssyncset.done $0x0  }
0x133: {  	[sflag:s20] =	ssyncadd.s32 $0xFFFFF000;
	s0 =	smul.u32 $0x6400, s0  }
0x134: {  	_ =	swait.ge [sflag:s20], $0x1000  }
0x135: {  	[sflag:s20] =	ssyncset.done $0x0;
	s0 =	ssub.s32 s12, s0  }
0x136: {  	[sflag:s20] =	ssyncadd.s32 $0xFFFFF000;
	s9 =	sshra.s32 s0, $0x2;
	s0 =	simm.s32 $0x14F40  }
0x137: {  	s9 =	sadd.s32 $0x8470, s9;
	v0 =	vld [tilespmem:s0+$0xFFFFFFC0]  }
0x138: {  	v1 =	vld [tilespmem:s9+$0xFFFFFF90];
	_ =	sdelay $0x4  }
0x139: {  	v0 =	vadd.f32 v1, v0;
	_ =	sdelay $0x1  }
0x13a: {  	[tilespmem:s0+$0xFFFFFFC0] =	vst v0;
	v0 =	vld [tilespmem:s0+$0xFFFFFFD0]  }
0x13b: {  	v1 =	vld [tilespmem:s9+$0xFFFFFFA0];
	_ =	sdelay $0x4  }
0x13c: {  	v0 =	vadd.f32 v1, v0;
	_ =	sdelay $0x1  }
0x13d: {  	[tilespmem:s0+$0xFFFFFFD0] =	vst v0;
	v0 =	vld [tilespmem:s0+$0xFFFFFFE0]  }
0x13e: {  	v1 =	vld [tilespmem:s9+$0xFFFFFFB0];
	_ =	sdelay $0x4  }
0x13f: {  	v0 =	vadd.f32 v1, v0;
	_ =	sdelay $0x1  }
0x140: {  	[tilespmem:s0+$0xFFFFFFE0] =	vst v0;
	v0 =	vld [tilespmem:s0+$0xFFFFFFF0]  }
0x141: {  	v1 =	vld [tilespmem:s9+$0xFFFFFFC0];
	_ =	sdelay $0x4  }
0x142: {  	v0 =	vadd.f32 v1, v0;
	_ =	sdelay $0x1  }
0x143: {  	[tilespmem:s0+$0xFFFFFFF0] =	vst v0;
	v0 =	vld [tilespmem:s0+$0x0]  }
0x144: {  	v1 =	vld [tilespmem:s9+$0xFFFFFFD0];
	_ =	sdelay $0x4  }
0x145: {  	v0 =	vadd.f32 v1, v0;
	_ =	sdelay $0x1  }
0x146: {  	[tilespmem:s0+$0x0] =	vst v0;
	v0 =	vld [tilespmem:s0+$0x10]  }
0x147: {  	v1 =	vld [tilespmem:s9+$0xFFFFFFE0];
	_ =	sdelay $0x4  }
0x148: {  	v0 =	vadd.f32 v1, v0;
	_ =	sdelay $0x1  }
0x149: {  	[tilespmem:s0+$0x10] =	vst v0;
	v0 =	vld [tilespmem:s0+$0x20]  }
0x14a: {  	v1 =	vld [tilespmem:s9+$0xFFFFFFF0];
	_ =	sdelay $0x4  }
0x14b: {  	v0 =	vadd.f32 v1, v0;
	_ =	sdelay $0x1  }
0x14c: {  	[tilespmem:s0+$0x20] =	vst v0;
	v0 =	vld [tilespmem:s0+$0x30]  }
0x14d: {  	v1 =	vld [tilespmem:s9+$0x0];
	_ =	sdelay $0x4  }
0x14e: {  	v0 =	vadd.f32 v1, v0  }
0x14f: {  	s10 =	sshll.u32 s10, $0x8;
	s15 =	simm.s32 $0x14FC0;
	s12 =	simm.s32 $0x0  }
.LBB2_20:
0x150: {  	v1 =	vld [tilespmem:s15+$0xFFFFFFC0];
	[tilespmem:s0+$0x30] =	vst v0;
	s9 =	sadd.s32 $0x80, s9;
	s0 =	smov.u32 s15  }
0x151: {  	s12 =	sadd.s32 $0x4, s12;
	v0 =	vld [tilespmem:s9+$0xFFFFFF90]  }
0x152: {  	p1 =	slt.u32 s12, $0xFC;
	_ =	sdelay $0x3  }
0x153: {  	v0 =	vadd.f32 v0, v1;
	_ =	sdelay $0x1  }
0x154: {  	[tilespmem:s15+$0xFFFFFFC0] =	vst v0;
	v0 =	vld [tilespmem:s15+$0xFFFFFFD0]  }
0x155: {  	v1 =	vld [tilespmem:s9+$0xFFFFFFA0];
	_ =	sdelay $0x4  }
0x156: {  	v0 =	vadd.f32 v1, v0;
	_ =	sdelay $0x1  }
0x157: {  	[tilespmem:s15+$0xFFFFFFD0] =	vst v0;
	v0 =	vld [tilespmem:s15+$0xFFFFFFE0]  }
0x158: {  	v1 =	vld [tilespmem:s9+$0xFFFFFFB0];
	_ =	sdelay $0x4  }
0x159: {  	v0 =	vadd.f32 v1, v0;
	_ =	sdelay $0x1  }
0x15a: {  	[tilespmem:s15+$0xFFFFFFE0] =	vst v0;
	v0 =	vld [tilespmem:s15+$0xFFFFFFF0]  }
0x15b: {  	v1 =	vld [tilespmem:s9+$0xFFFFFFC0];
	_ =	sdelay $0x4  }
0x15c: {  	v0 =	vadd.f32 v1, v0;
	_ =	sdelay $0x1  }
0x15d: {  	[tilespmem:s15+$0xFFFFFFF0] =	vst v0;
	v0 =	vld [tilespmem:s15+$0x0]  }
0x15e: {  	v1 =	vld [tilespmem:s9+$0xFFFFFFD0];
	_ =	sdelay $0x4  }
0x15f: {  	v0 =	vadd.f32 v1, v0;
	_ =	sdelay $0x1  }
0x160: {  	[tilespmem:s15+$0x0] =	vst v0;
	v0 =	vld [tilespmem:s15+$0x10]  }
0x161: {  	v1 =	vld [tilespmem:s9+$0xFFFFFFE0];
	_ =	sdelay $0x4  }
0x162: {  	v0 =	vadd.f32 v1, v0;
	_ =	sdelay $0x1  }
0x163: {  	[tilespmem:s15+$0x10] =	vst v0;
	v0 =	vld [tilespmem:s15+$0x20]  }
0x164: {  	v1 =	vld [tilespmem:s9+$0xFFFFFFF0];
	_ =	sdelay $0x4  }
0x165: {  	v0 =	vadd.f32 v1, v0;
	_ =	sdelay $0x1  }
0x166: {  	[tilespmem:s15+$0x20] =	vst v0;
	v0 =	vld [tilespmem:s15+$0x30]  }
0x167: {  	v1 =	vld [tilespmem:s9+$0x0];
	_ =	sdelay $0x1  }
.Ltmp12:
0x168: {  	(pc) =	sbr.rel @p1 .LBB2_20-.Ltmp12, $3  }
0x169: {  	_ =	sdelay $0x1  }
0x16a: {  	v0 =	vadd.f32 v1, v0  }
0x16b: {  	s15 =	sadd.s32 $0x80, s15  }
0x16c: {  	s9 =	sadd.s32 s4, s10  }
0x16d: {  	s9 =	sshll.u32 s9, $0x2  }
0x16e: {  	s9 =	sand.u32 $0x1FFFFC00, s9  }
0x16f: {  	[tilespmem:s0+$0x30] =	vst v0;
	s25 =	sadd.s32 s2, s9  }
0x170: {  	[hbm4b:s25+s3] =	stream.linear.scatter [tilespmem:s21], [sflag:$0xC], $0x2000, $0x38;
	[tilespmem:$0x16F00] =	vst v63  }
.LBB2_22:
0x171: {  	p1 =	sgt.u32 s30, $0xF  }
.Ltmp13:
0x172: {  	_ = 	snop;
	(pc) =	sbr.rel @p1 .LBB2_24-.Ltmp13, $4  }
0x173: {  	s0 =	simm.s32 @p2 $0xB  }
0x174: {  	_ =	swait.ge @p2 [sflag:s0], $0x2000  }
0x175: {  	[sflag:s0] =	ssyncset.done @p2 $0x0  }
0x176: {  	[sflag:s0] =	ssyncadd.s32 @p2 $0xFFFFE000;
	s0 =	smul.u32 $0x1800, s30  }
0x177: {  	_ = 	snop  }
.Ltmp14:
0x178: {  	s9 =	sshra.s32 s0, $0x2;
	(pc) =	sbr.rel .LBB2_25-.Ltmp14, $4  }
0x179: {  	s10 =	sadd.s32 $0x400, s9  }
0x17a: {  	[tilespmem:s19], [sflag:$0x5] =	stream.indirect.gather [hbm4b:s5+s13], $0x20, s10, s13, $0xb8;
	[tilespmem:$0x16F00] =	vst v63  }
0x17b: {  	s25 =	simm.s32 $0x13F00;
	s9 =	sadd.s32 $0x480, s9  }
0x17c: {  	[tilespmem:s25], [sflag:$0x5] =	stream.indirect.gather [hbm4b:s5+s13], $0x20, s9, s13, $0xb8;
	[tilespmem:$0x16F00] =	vst v63  }
.LBB2_24:
.Ltmp15:
0x17d: {  	(pc) =	sbr.rel @p0 .LBB2_28-.Ltmp15, $1  }
0x17e: {  	_ =	sdelay $0x3  }
.LBB2_25:
0x17f: {  	s9 =	smulhi.u32 $0x51EB851F, s29;
	_ =	swait.ge [sflag:s23], $0x1000  }
0x180: {  	[sflag:s23] =	ssyncset.done $0x0  }
0x181: {  	s9 =	sshrl.u32 s9, $0x6;
	[sflag:s23] =	ssyncadd.s32 $0xFFFFF000  }
0x182: {  	s9 =	smul.u32 $0xFFFF9C00, s9;
	_ =	swait.ge [sflag:s23], $0x1000  }
0x183: {  	[sflag:s23] =	ssyncset.done $0x0  }
0x184: {  	s10 =	sshra.s32 s9, $0x2;
	[sflag:s23] =	ssyncadd.s32 $0xFFFFF000;
	s9 =	simm.s32 $0xAF40  }
0x185: {  	s10 =	sadd.s32 s10, s7;
	v0 =	vld [tilespmem:s9+$0xFFFFFFC0]  }
0x186: {  	v1 =	vld [tilespmem:s10+$0xFFFFFF90];
	_ =	sdelay $0x4  }
0x187: {  	v0 =	vadd.f32 v1, v0;
	_ =	sdelay $0x1  }
0x188: {  	[tilespmem:s9+$0xFFFFFFC0] =	vst v0;
	v0 =	vld [tilespmem:s9+$0xFFFFFFD0]  }
0x189: {  	v1 =	vld [tilespmem:s10+$0xFFFFFFA0];
	_ =	sdelay $0x4  }
0x18a: {  	v0 =	vadd.f32 v1, v0;
	_ =	sdelay $0x1  }
0x18b: {  	[tilespmem:s9+$0xFFFFFFD0] =	vst v0;
	v0 =	vld [tilespmem:s9+$0xFFFFFFE0]  }
0x18c: {  	v1 =	vld [tilespmem:s10+$0xFFFFFFB0];
	_ =	sdelay $0x4  }
0x18d: {  	v0 =	vadd.f32 v1, v0;
	_ =	sdelay $0x1  }
0x18e: {  	[tilespmem:s9+$0xFFFFFFE0] =	vst v0;
	v0 =	vld [tilespmem:s9+$0xFFFFFFF0]  }
0x18f: {  	v1 =	vld [tilespmem:s10+$0xFFFFFFC0];
	_ =	sdelay $0x4  }
0x190: {  	v0 =	vadd.f32 v1, v0;
	_ =	sdelay $0x1  }
0x191: {  	[tilespmem:s9+$0xFFFFFFF0] =	vst v0;
	v0 =	vld [tilespmem:s9+$0x0]  }
0x192: {  	v1 =	vld [tilespmem:s10+$0xFFFFFFD0];
	_ =	sdelay $0x4  }
0x193: {  	v0 =	vadd.f32 v1, v0;
	_ =	sdelay $0x1  }
0x194: {  	[tilespmem:s9+$0x0] =	vst v0;
	v0 =	vld [tilespmem:s9+$0x10]  }
0x195: {  	v1 =	vld [tilespmem:s10+$0xFFFFFFE0];
	_ =	sdelay $0x4  }
0x196: {  	v0 =	vadd.f32 v1, v0;
	_ =	sdelay $0x1  }
0x197: {  	[tilespmem:s9+$0x10] =	vst v0;
	v0 =	vld [tilespmem:s9+$0x20]  }
0x198: {  	v1 =	vld [tilespmem:s10+$0xFFFFFFF0];
	_ =	sdelay $0x4  }
0x199: {  	v0 =	vadd.f32 v1, v0;
	_ =	sdelay $0x1  }
0x19a: {  	[tilespmem:s9+$0x20] =	vst v0;
	v0 =	vld [tilespmem:s9+$0x30]  }
0x19b: {  	v1 =	vld [tilespmem:s10+$0x0];
	_ =	sdelay $0x4  }
0x19c: {  	v0 =	vadd.f32 v1, v0  }
0x19d: {  	s12 =	smul.u32 $0x600, s30;
	s15 =	simm.s32 $0x0;
	s17 =	simm.s32 $0xAFC0  }
.LBB2_26:
0x19e: {  	v1 =	vld [tilespmem:s17+$0xFFFFFFC0];
	[tilespmem:s9+$0x30] =	vst v0;
	s10 =	sadd.s32 $0x80, s10;
	s9 =	smov.u32 s17  }
0x19f: {  	s15 =	sadd.s32 $0x4, s15;
	v0 =	vld [tilespmem:s10+$0xFFFFFF90]  }
0x1a0: {  	p3 =	slt.u32 s15, $0xFC;
	_ =	sdelay $0x3  }
0x1a1: {  	v0 =	vadd.f32 v0, v1;
	_ =	sdelay $0x1  }
0x1a2: {  	[tilespmem:s17+$0xFFFFFFC0] =	vst v0;
	v0 =	vld [tilespmem:s17+$0xFFFFFFD0]  }
0x1a3: {  	v1 =	vld [tilespmem:s10+$0xFFFFFFA0];
	_ =	sdelay $0x4  }
0x1a4: {  	v0 =	vadd.f32 v1, v0;
	_ =	sdelay $0x1  }
0x1a5: {  	[tilespmem:s17+$0xFFFFFFD0] =	vst v0;
	v0 =	vld [tilespmem:s17+$0xFFFFFFE0]  }
0x1a6: {  	v1 =	vld [tilespmem:s10+$0xFFFFFFB0];
	_ =	sdelay $0x4  }
0x1a7: {  	v0 =	vadd.f32 v1, v0;
	_ =	sdelay $0x1  }
0x1a8: {  	[tilespmem:s17+$0xFFFFFFE0] =	vst v0;
	v0 =	vld [tilespmem:s17+$0xFFFFFFF0]  }
0x1a9: {  	v1 =	vld [tilespmem:s10+$0xFFFFFFC0];
	_ =	sdelay $0x4  }
0x1aa: {  	v0 =	vadd.f32 v1, v0;
	_ =	sdelay $0x1  }
0x1ab: {  	[tilespmem:s17+$0xFFFFFFF0] =	vst v0;
	v0 =	vld [tilespmem:s17+$0x0]  }
0x1ac: {  	v1 =	vld [tilespmem:s10+$0xFFFFFFD0];
	_ =	sdelay $0x4  }
0x1ad: {  	v0 =	vadd.f32 v1, v0;
	_ =	sdelay $0x1  }
0x1ae: {  	[tilespmem:s17+$0x0] =	vst v0;
	v0 =	vld [tilespmem:s17+$0x10]  }
0x1af: {  	v1 =	vld [tilespmem:s10+$0xFFFFFFE0];
	_ =	sdelay $0x4  }
0x1b0: {  	v0 =	vadd.f32 v1, v0;
	_ =	sdelay $0x1  }
0x1b1: {  	[tilespmem:s17+$0x10] =	vst v0;
	v0 =	vld [tilespmem:s17+$0x20]  }
0x1b2: {  	v1 =	vld [tilespmem:s10+$0xFFFFFFF0];
	_ =	sdelay $0x4  }
0x1b3: {  	v0 =	vadd.f32 v1, v0;
	_ =	sdelay $0x1  }
0x1b4: {  	[tilespmem:s17+$0x20] =	vst v0;
	v0 =	vld [tilespmem:s17+$0x30]  }
0x1b5: {  	v1 =	vld [tilespmem:s10+$0x0];
	_ =	sdelay $0x1  }
.Ltmp16:
0x1b6: {  	(pc) =	sbr.rel @p3 .LBB2_26-.Ltmp16, $3  }
0x1b7: {  	_ =	sdelay $0x1  }
0x1b8: {  	v0 =	vadd.f32 v1, v0  }
0x1b9: {  	s17 =	sadd.s32 $0x80, s17  }
0x1ba: {  	s10 =	sadd.s32 s4, s12  }
0x1bb: {  	s10 =	sshll.u32 s10, $0x2  }
0x1bc: {  	[tilespmem:s9+$0x30] =	vst v0;
	s25 =	simm.s32 $0xAF00;
	s24 =	sadd.s32 s2, s10  }
0x1bd: {  	[hbm4b:s24+s3] =	stream.linear.scatter [tilespmem:s25], [sflag:$0x7], $0x2000, $0x38;
	[tilespmem:$0x16F00] =	vst v63  }
.LBB2_28:
.Ltmp17:
0x1be: {  	(pc) =	sbr.rel @p1 .LBB2_30-.Ltmp17, $4  }
0x1bf: {  	s9 =	simm.s32 @p2 $0xC  }
0x1c0: {  	_ =	swait.ge @p2 [sflag:s9], $0x2000  }
0x1c1: {  	[sflag:s9] =	ssyncset.done @p2 $0x0  }
0x1c2: {  	[sflag:s9] =	ssyncadd.s32 @p2 $0xFFFFE000  }
.Ltmp18:
0x1c3: {  	s0 =	sshra.s32 s0, $0x2;
	(pc) =	sbr.rel .LBB2_31-.Ltmp18, $4  }
0x1c4: {  	s9 =	sadd.s32 $0x500, s0  }
0x1c5: {  	[tilespmem:s21], [sflag:$0x6] =	stream.indirect.gather [hbm4b:s5+s13], $0x20, s9, s13, $0xb8;
	[tilespmem:$0x16F00] =	vst v63  }
0x1c6: {  	s25 =	simm.s32 $0x15F00;
	s0 =	sadd.s32 $0x580, s0  }
0x1c7: {  	[tilespmem:s25], [sflag:$0x6] =	stream.indirect.gather [hbm4b:s5+s13], $0x20, s0, s13, $0xb8;
	[tilespmem:$0x16F00] =	vst v63  }
.LBB2_30:
.Ltmp19:
0x1c8: {  	(pc) =	sbr.rel @p0 .LBB2_34-.Ltmp19, $1  }
0x1c9: {  	_ =	sdelay $0x3  }
.LBB2_31:
0x1ca: {  	s0 =	smulhi.u32 $0x51EB851F, s28;
	_ =	swait.ge [sflag:s26], $0x1000  }
0x1cb: {  	[sflag:s26] =	ssyncset.done $0x0  }
0x1cc: {  	s0 =	sshrl.u32 s0, $0x6;
	[sflag:s26] =	ssyncadd.s32 $0xFFFFF000  }
0x1cd: {  	s0 =	smul.u32 $0xFFFF9C00, s0;
	_ =	swait.ge [sflag:s26], $0x1000  }
0x1ce: {  	[sflag:s26] =	ssyncset.done $0x0  }
0x1cf: {  	s9 =	sshra.s32 s0, $0x2;
	[sflag:s26] =	ssyncadd.s32 $0xFFFFF000;
	s0 =	simm.s32 $0xCF40  }
0x1d0: {  	s9 =	sadd.s32 s9, s8;
	v0 =	vld [tilespmem:s0+$0xFFFFFFC0]  }
0x1d1: {  	v1 =	vld [tilespmem:s9+$0xFFFFFF90];
	_ =	sdelay $0x4  }
0x1d2: {  	v0 =	vadd.f32 v1, v0;
	_ =	sdelay $0x1  }
0x1d3: {  	[tilespmem:s0+$0xFFFFFFC0] =	vst v0;
	v0 =	vld [tilespmem:s0+$0xFFFFFFD0]  }
0x1d4: {  	v1 =	vld [tilespmem:s9+$0xFFFFFFA0];
	_ =	sdelay $0x4  }
0x1d5: {  	v0 =	vadd.f32 v1, v0;
	_ =	sdelay $0x1  }
0x1d6: {  	[tilespmem:s0+$0xFFFFFFD0] =	vst v0;
	v0 =	vld [tilespmem:s0+$0xFFFFFFE0]  }
0x1d7: {  	v1 =	vld [tilespmem:s9+$0xFFFFFFB0];
	_ =	sdelay $0x4  }
0x1d8: {  	v0 =	vadd.f32 v1, v0;
	_ =	sdelay $0x1  }
0x1d9: {  	[tilespmem:s0+$0xFFFFFFE0] =	vst v0;
	v0 =	vld [tilespmem:s0+$0xFFFFFFF0]  }
0x1da: {  	v1 =	vld [tilespmem:s9+$0xFFFFFFC0];
	_ =	sdelay $0x4  }
0x1db: {  	v0 =	vadd.f32 v1, v0;
	_ =	sdelay $0x1  }
0x1dc: {  	[tilespmem:s0+$0xFFFFFFF0] =	vst v0;
	v0 =	vld [tilespmem:s0+$0x0]  }
0x1dd: {  	v1 =	vld [tilespmem:s9+$0xFFFFFFD0];
	_ =	sdelay $0x4  }
0x1de: {  	v0 =	vadd.f32 v1, v0;
	_ =	sdelay $0x1  }
0x1df: {  	[tilespmem:s0+$0x0] =	vst v0;
	v0 =	vld [tilespmem:s0+$0x10]  }
0x1e0: {  	v1 =	vld [tilespmem:s9+$0xFFFFFFE0];
	_ =	sdelay $0x4  }
0x1e1: {  	v0 =	vadd.f32 v1, v0;
	_ =	sdelay $0x1  }
0x1e2: {  	[tilespmem:s0+$0x10] =	vst v0;
	v0 =	vld [tilespmem:s0+$0x20]  }
0x1e3: {  	v1 =	vld [tilespmem:s9+$0xFFFFFFF0];
	_ =	sdelay $0x4  }
0x1e4: {  	v0 =	vadd.f32 v1, v0;
	_ =	sdelay $0x1  }
0x1e5: {  	[tilespmem:s0+$0x20] =	vst v0;
	v0 =	vld [tilespmem:s0+$0x30]  }
0x1e6: {  	v1 =	vld [tilespmem:s9+$0x0];
	_ =	sdelay $0x4  }
0x1e7: {  	v0 =	vadd.f32 v1, v0  }
0x1e8: {  	s1 =	sshll.u32 s1, $0x8;
	s10 =	simm.s32 $0x0;
	s12 =	simm.s32 $0xCFC0  }
.LBB2_32:
0x1e9: {  	v1 =	vld [tilespmem:s12+$0xFFFFFFC0];
	[tilespmem:s0+$0x30] =	vst v0;
	s9 =	sadd.s32 $0x80, s9;
	s0 =	smov.u32 s12  }
0x1ea: {  	s10 =	sadd.s32 $0x4, s10;
	v0 =	vld [tilespmem:s9+$0xFFFFFF90]  }
0x1eb: {  	p0 =	slt.u32 s10, $0xFC;
	_ =	sdelay $0x3  }
0x1ec: {  	v0 =	vadd.f32 v0, v1;
	_ =	sdelay $0x1  }
0x1ed: {  	[tilespmem:s12+$0xFFFFFFC0] =	vst v0;
	v0 =	vld [tilespmem:s12+$0xFFFFFFD0]  }
0x1ee: {  	v1 =	vld [tilespmem:s9+$0xFFFFFFA0];
	_ =	sdelay $0x4  }
0x1ef: {  	v0 =	vadd.f32 v1, v0;
	_ =	sdelay $0x1  }
0x1f0: {  	[tilespmem:s12+$0xFFFFFFD0] =	vst v0;
	v0 =	vld [tilespmem:s12+$0xFFFFFFE0]  }
0x1f1: {  	v1 =	vld [tilespmem:s9+$0xFFFFFFB0];
	_ =	sdelay $0x4  }
0x1f2: {  	v0 =	vadd.f32 v1, v0;
	_ =	sdelay $0x1  }
0x1f3: {  	[tilespmem:s12+$0xFFFFFFE0] =	vst v0;
	v0 =	vld [tilespmem:s12+$0xFFFFFFF0]  }
0x1f4: {  	v1 =	vld [tilespmem:s9+$0xFFFFFFC0];
	_ =	sdelay $0x4  }
0x1f5: {  	v0 =	vadd.f32 v1, v0;
	_ =	sdelay $0x1  }
0x1f6: {  	[tilespmem:s12+$0xFFFFFFF0] =	vst v0;
	v0 =	vld [tilespmem:s12+$0x0]  }
0x1f7: {  	v1 =	vld [tilespmem:s9+$0xFFFFFFD0];
	_ =	sdelay $0x4  }
0x1f8: {  	v0 =	vadd.f32 v1, v0;
	_ =	sdelay $0x1  }
0x1f9: {  	[tilespmem:s12+$0x0] =	vst v0;
	v0 =	vld [tilespmem:s12+$0x10]  }
0x1fa: {  	v1 =	vld [tilespmem:s9+$0xFFFFFFE0];
	_ =	sdelay $0x4  }
0x1fb: {  	v0 =	vadd.f32 v1, v0;
	_ =	sdelay $0x1  }
0x1fc: {  	[tilespmem:s12+$0x10] =	vst v0;
	v0 =	vld [tilespmem:s12+$0x20]  }
0x1fd: {  	v1 =	vld [tilespmem:s9+$0xFFFFFFF0];
	_ =	sdelay $0x4  }
0x1fe: {  	v0 =	vadd.f32 v1, v0;
	_ =	sdelay $0x1  }
0x1ff: {  	[tilespmem:s12+$0x20] =	vst v0;
	v0 =	vld [tilespmem:s12+$0x30]  }
0x200: {  	v1 =	vld [tilespmem:s9+$0x0];
	_ =	sdelay $0x1  }
.Ltmp20:
0x201: {  	(pc) =	sbr.rel @p0 .LBB2_32-.Ltmp20, $3  }
0x202: {  	_ =	sdelay $0x1  }
0x203: {  	v0 =	vadd.f32 v1, v0  }
0x204: {  	s12 =	sadd.s32 $0x80, s12  }
0x205: {  	s30 =	sadd.s32 $0x1, s30  }
0x206: {  	p0 =	sne.s32 s30, $0x12  }
.Ltmp21:
0x207: {  	s1 =	sadd.s32 s4, s1;
	(pc) =	sbr.rel @p0 .LBB2_2-.Ltmp21, $4  }
.Ltmp22:
0x208: {  	s6 =	sadd.s32 $0x600, s6;
	s1 =	sshll.u32 s1, $0x2;
	(pc) =	sbr.rel @!p0 .LBB2_34-.Ltmp22, $4  }
0x209: {  	s7 =	sadd.s32 $0xC000, s7;
	s29 =	sadd.s32 $0x600, s29;
	s1 =	sand.u32 $0x1FFFFC00, s1  }
0x20a: {  	[tilespmem:s0+$0x30] =	vst v0;
	s8 =	sadd.s32 $0xC000, s8;
	s28 =	sadd.s32 $0x600, s28;
	s25 =	sadd.s32 s2, s1  }
0x20b: {  	[hbm4b:s25+s3] =	stream.linear.scatter [tilespmem:s14], [sflag:$0x8], $0x2000, $0x38;
	[tilespmem:$0x16F00] =	vst v63  }
0x20c: {  	_ = 	snop  }
.LBB2_35:
0x20d: {  	_ =	sfence.sel $0x180000  }
0x20e: {  	[bflag:$0x0] =	sbarrier.arrive $0xFFFF  }
0x20f: {  	_ =	strace $0x90000047  }
0x210: {  	s0 =	stileid.u32;
	[bflag:$0x2] =	sbarrier.arrive $0xFFFF  }
0x211: {  	p0 =	sne.s32 s0, $0x0;
	s0 =	rddreg [dreg:$0x2]  }
0x212: {  	s0 =	sadd.s32 @!p0 $0x100000, s0  }
0x213: {  	[sflag:s0] =	ssyncadd.tile.s32 @!p0 $0x1;
	_ =	shalt  }
.Lfunc_end2:
_tile_overlayer_lowered:
.L_overlay_start_2:
0x214: {  	(tag) =	ssettag $0x2  }
0x215: {  	s0 =	rddreg [dreg:$0x0];
	s2 =	stileid.u32  }
0x216: {  	s1 =	rddreg [dreg:$0x1];
	p0 =	sne.s32 s2, $0x0  }
0x217: {  	s3 =	rddreg [dreg:$0x2];
	[bflag:$0x3] =	sbarrier.arrive $0xFFFF;
	s2 =	simm.s32 @!p0 $0x1C0D  }
0x218: {  	[timem:s3], [sflag:s2] =	dma.local @!p0 [hbm:s0], s1  }
0x219: {  	s0 =	simm.s32 @!p0 $0xD  }
0x21a: {  	_ =	swait.ge @!p0 [sflag:s0], s1  }
0x21b: {  	s1 =	ssub.s32 @!p0 $0x0, s1;
	[sflag:s0] =	ssyncset.done @!p0 $0x0  }
0x21c: {  	[sflag:s0] =	ssyncadd.s32 @!p0 s1  }
0x21d: {  	[bflag:$0x3] =	sbarrier.arrive $0xFFFF  }
0x21e: {  	_ =	shalt  }

// kernel: sparse-core-data-format-call.cloned.1.call-start
scs
called_computation_lowered:
.L_overlay_start_0:
0x0: {  	s2 =	sld [smem:$0x3FD9]  }
0x1: {  	s3 =	sld [smem:$0x3FFE];
	_ =	sdelay $0x1  }
0x2: {  	s1 =	srdreg.scid  }
0x3: {  	s0 =	sand.u32 $0x1, s1  }
0x4: {  	s18 =	sshll.u32 s0, $0xA;
	s2 =	sadd.s32 s3, s2  }
0x5: {  	s2 =	sadd.s32 s2, s18  }
0x6: {  	[smem:$0x3FC5] =	sst s2  }
0x7: {  	_ = 	snop  }
0x8: {  	s2 =	sld [smem:$0x3FD0];
	(tm) =	ssettm $0x1  }
0x9: {  	s19 =	sld [smem:$0x3FFB];
	_ =	sdelay $0x3  }
0xa: {  	_ =	strace s19  }
0xb: {  	s3 =	sld [smem:$0x3FFC];
	_ =	sdelay $0x3  }
0xc: {  	_ =	strace s3  }
0xd: {  	s3 =	sld [smem:$0x3FFD];
	_ =	sdelay $0x3  }
0xe: {  	_ =	strace s3  }
0xf: {  	_ =	strace $0x8FFFFFFF  }
0x10: {  	s20 =	sld [smem:$0x3FDB];
	_ =	sdelay $0x1  }
0x11: {  	s4 =	simm.s32 $_scs_section_size  }
0x12: {  	s5 =	simm.s32 $_size__tile_overlayer_lowered;
	s6 =	simm.s32 $_tile_overlayer_lowered  }
0x13: {  	s23 =	simm.s32 $0x1BFF;
	s22 =	sshll.u32 s6, $0x1;
	s3 =	sadd.s32 s4, s20  }
0x14: {  	s7 =	simm.s32 $0x0;
	s21 =	sshll.u32 s5, $0x1;
	s5 =	sadd.s32 s22, s3  }
0x15: {  	[timem:s7], [sflag:s23] =	dma.local [hbm:s5], s21  }
0x16: {  	_ =	swait.ge [sflag:s23], s21  }
0x17: {  	s4 =	ssub.s32 $0x0, s21;
	[sflag:s23] =	ssyncset.done $0x0  }
0x18: {  	[sflag:s23] =	ssyncadd.s32 s4;
	_ =	sdelay $0x1  }
0x19: {  	s24 =	simm.s32 $0x1B8B  }
0x1a: {  	_ =	swait.ge [sflag:s24], $0x1  }
0x1b: {  	[sflag:s24] =	ssyncset.done $0x0  }
0x1c: {  	s26 =	simm.s32 $0x1B8E;
	s25 =	sld [smem:$0x3FFE];
	[sflag:s24] =	ssyncadd.s32 $0xFFFFFFFF  }
0x1d: {  	s27 =	simm.s32 $execute0_lowered;
	[smem:$0x3FD2] =	sst s26  }
0x1e: {  	s5 =	sshll.u32 s27, $0x1;
	_ =	strace $0x80000049;
	[dreg:$0x1] =	wrdreg $0xFFFFFFFF  }
0x1f: {  	s28 =	simm.s32 $_size_execute0_lowered;
	s3 =	sadd.s32 s3, s5;
	[dreg:$0x0] =	wrdreg $0x0  }
0x20: {  	s5 =	sshll.u32 s28, $0x1;
	[dreg:$0x2] =	wrdreg s3  }
0x21: {  	[dreg:$0x3] =	wrdreg s5  }
0x22: {  	[dreg:$0x4] =	wrdreg $0xC0  }
0x23: {  	_ =	task [dreg:s7], $0x5FFFF  }
0x24: {  	[dreg:$0x1] =	wrdreg $0xFFFFFFFF  }
0x25: {  	[dreg:$0x0] =	wrdreg $0x60  }
0x26: {  	[dreg:$0x2] =	wrdreg s25  }
0x27: {  	[dreg:$0x3] =	wrdreg s2  }
0x28: {  	[dreg:$0x4] =	wrdreg $0x9  }
0x29: {  	_ =	task.clear_ibuf [dreg:s7], $0x5FFFF;
	_ =	strace $0x90000049  }
0x2a: {  	s29 =	simm.s32 $0x9;
	_ =	strace $0x8000004B  }
0x2b: {  	_ =	swait.ge [sflag:s29], $0x1  }
0x2c: {  	[sflag:s29] =	ssyncadd.s32 $0xFFFFFFFF  }
0x2d: {  	_ =	strace $0x9000004B  }
0x2e: {  	_ =	sfence  }
0x2f: {  	s30 =	sld [smem:$0x0];
	_ =	sdelay $0x2  }
0x30: {  	s31 =	sshll.u32 s1, $0xD;
	s1 =	sshrl.u32 s1, $0x2  }
0x31: {  	s3 =	sand.u32 $0x4000, s31;
	s1 =	sadd.s32 s1, s30  }
0x32: {  	s0 =	sor.u32 s3, s0;
	s1 =	sshll.u32 s1, $0x11  }
0x33: {  	s0 =	sor.u32 s1, s0  }
0x34: {  	s0 =	sadd.s32 $0x8F2B, s0  }
0x35: {  	[sflag:s0] =	ssyncadd.remote.s32 $0x1  }
0x36: {  	_ =	sfence.sel $0xFFFF  }
0x37: {  	[dreg:$0x0] =	wrdreg $0xFFFFFFFF;
	(pc) =	sbr.abs _section_cstart, $3  }
0x38: {  	[dreg:$0x1] =	wrdreg $0xFFFFFFFF  }
0x39: {  	_ =	task.clear_ibuf [dreg:s7], $0x2FFFF;
	_ =	strace $0x9FFFFFFF  }
0x3a: {  	(tm) =	ssettm $0x7FFFFFFF  }
0x3b: {  	_ =	shalt  }
tec
execute0_lowered:
.L_overlay_start_1:
0x0: {  	(tag) =	ssettag $0x1  }
0x1: {  	s0 =	srdreg.scid  }
0x2: {  	s1 =	sshll.u32 s0, $0x4  }
0x3: {  	s0 =	stileid.u32;
	s1 =	sand.u32 $0x10, s1  }
0x4: {  	s1 =	sor.u32 s0, s1  }
0x5: {  	s6 =	rddreg [dreg:$0x0];
	s4 =	simm.s32 $0x1;
	s2 =	sshll.u32 s1, $0x7  }
0x6: {  	s7 =	simm.s32 $0x2;
	s12 =	simm.s32 $0x0;
	s1 =	ssub.s32 $0x1000, s2  }
0x7: {  	s8 =	simm.s32 $0x8000;
	s13 =	simm.s32 $0x0;
	s3 =	sand.u32 $0xF80, s1  }
0x8: {  	s9 =	simm.s32 $0x0;
	s5 =	sshrl.u32 s1, $0xC;
	p0 =	sne.s32 s3, $0x0  }
.Ltmp0:
0x9: {  	s1 =	rddreg [dreg:$0x2];
	s4 =	simm.s32 @!p0 $0x0;
	(pc) =	sbr.rel .LBB1_1-.Ltmp0, $4  }
0xa: {  	s11 =	simm.s32 $0x0;
	s3 =	rddreg [dreg:$0x1];
	s5 =	sadd.s32 s4, s5  }
0xb: {  	_ =	strace $0x8000004A;
	s4 =	simm.s32 $0x1;
	s5 =	smul.u32 $0xC8, s5  }
0xc: {  	s6 =	sadd.s32 $0xC00, s6;
	s10 =	smov.u32 s2;
	[sflag:s4] =	ssyncpa.u1 $0x0  }
0xd: {  	p0 =	por $0x0, $0x0;
	[sflag:s7] =	ssyncpa.u1 $0x0;
	s7 =	sor.u32 $0x1, s5  }
.LBB1_4:
0xe: {  	s16 =	sshll.u32 s13, $0x3;
	s17 =	sand.u32 $0x78, s13  }
0xf: {  	s30 =	sand.u32 $0x3E00, s13;
	s12 =	sshll.u32 s12, $0xE;
	s16 =	sand.u32 $0xC00, s16  }
0x10: {  	s31 =	sand.u32 $0x7, s13;
	s16 =	sor.u32 s17, s16;
	s17 =	sadd.s32 s3, s30  }
0x11: {  	s13 =	sshll.u32 s31, $0x12;
	s16 =	sshrl.u32 s16, $0x3;
	s12 =	sadd.s32 s12, s17  }
0x12: {  	[tilespmem:s15+$0x0 ss:$0x81] =	vst.msk $0xffff, v0;
	s13 =	sor.u32 $0x400, s13;
	s12 =	sadd.s32 s16, s12  }
0x13: {  	[hbm4b:s12+s13] =	stream.strided.scatter [tilespmem:s14], [sflag:$0x2], $0x1000, s8, s13, $0x20;
	[tilespmem:$0x4040] =	vst v63  }
.LBB1_5:
0x14: {  	s14 =	sadd.s32 $0x1, s9  }
0x15: {  	s12 =	sadd.s32 $0x1000, s10;
	s16 =	smov.u32 s10;
	p2 =	sgt.s32 s14, $0xC7  }
0x16: {  	s16 =	smov.u32 @p2 s12  }
0x17: {  	s14 =	simm.s32 @p2 $0x0;
	p2 =	sgt.s32 s16, $0xFFF  }
0x18: {  	s16 =	smov.u32 @p2 s2;
	p2 =	sne.s32 s11, s7  }
.Ltmp1:
0x19: {  	p1 =	slt.u32 s11, $0x2;
	(pc) =	sbr.rel @!p2 .LBB1_6-.Ltmp1, $4  }
0x1a: {  	s15 =	simm.s32 @!p1 $0x2  }
0x1b: {  	s13 =	smov.u32 s10;
	p0 =	por !p0, !p0;
	_ =	swait.ge @!p1 [sflag:s15], $0x1000  }
0x1c: {  	s12 =	smov.u32 s9;
	[sflag:s15] =	ssyncset.done @!p1 $0x0;
	s9 =	smov.u32 s14  }
0x1d: {  	s11 =	sadd.s32 $0x1, s11;
	[sflag:s15] =	ssyncadd.s32 @!p1 $0xFFFFF000;
	s10 =	smov.u32 s16  }
.LBB1_1:
0x1e: {  	p1 =	sge.u32 s11, s5  }
0x1f: {  	s14 =	sand.u32 @!p1 $0x1FFFFFF, s9  }
0x20: {  	s15 =	smulhi.u32 @!p1 $0x147AE15, s14;
	_ =	sdelay $0x1  }
0x21: {  	s15 =	smul.u32 @!p1 $0xC8, s15  }
0x22: {  	s16 =	sxor.u32 @!p1 $0xFFFFFFFF, s11;
	s17 =	smul.u32 @!p1 $0xC80, s10  }
0x23: {  	s31 =	sadd.s32 $0xFFFFFFFF, s11;
	s16 =	sshll.u32 @!p1 s16, $0xC;
	s14 =	ssub.s32 @!p1 s14, s15  }
0x24: {  	s15 =	sand.u32 @!p1 $0x1000, s16;
	s16 =	sadd.s32 @!p1 s6, s17;
	s14 =	sshll.u32 @!p1 s14, $0x4  }
0x25: {  	s17 =	simm.s32 @!p1 $0x6400;
	s14 =	sadd.s32 @!p1 s14, s16;
	s16 =	simm.s32 @!p1 $0x20  }
0x26: {  	[tilespmem:s15], [sflag:$0x1] =	stream.strided.gather @!p1 [hbm4b:s14+s16], $0x1000, s17, s16, $0x38;
	[tilespmem:$0x4040] =	vst v63  }
0x27: {  	p1 =	sge.u32 s31, s5  }
.Ltmp2:
0x28: {  	_ = 	snop;
	(pc) =	sbr.rel @p1 .LBB1_5-.Ltmp2, $1  }
0x29: {  	_ =	sdelay $0x3  }
0x2a: {  	s14 =	simm.s32 $0x1  }
0x2b: {  	_ =	swait.ge [sflag:s4], $0x1000;
	s14 =	simm.s32 @!p0 $0x0  }
0x2c: {  	[sflag:s4] =	ssyncset.done $0x0;
	s15 =	sshll.u32 s14, $0xC  }
0x2d: {  	[sflag:s4] =	ssyncadd.s32 $0xFFFFF000;
	s18 =	sor.u32 $0x10, s15  }
0x2e: {  	s14 =	smul.u32 $0x4080, s14;
	v1 =	vld [tilespmem:s18+$0x0]  }
0x2f: {  	s30 =	sand.u32 $0x1, s11;
	v0 =	vld [tilespmem:s18+$0xFFFFFFF0]  }
0x30: {  	s15 =	smul.u32 $0x4080, s30;
	s14 =	sshrl.u32 s14, $0x2  }
0x31: {  	s16 =	sor.u32 $0x2000, s14  }
0x32: {  	s31 =	sshrl.u32 s15, $0x2;
	s15 =	sadd.s32 $0x0, s16  }
0x33: {  	s17 =	simm.s32 $0x4;
	s18 =	sadd.s32 $0x20, s18;
	s14 =	sor.u32 $0x2000, s31;
	[tilespmem:s15+$0x810 ss:$0x81] =	vst.msk $0xffff, v1  }
.LBB1_3:
0x34: {  	v1 =	vld [tilespmem:s18+$0x0];
	p1 =	sne.s32 s17, $0x1FC;
	[tilespmem:s15+$0x0 ss:$0x81] =	vst.msk $0xffff, v0;
	s15 =	smov.u32 s17;
	s17 =	sadd.s32 $0x4, s17  }
.Ltmp3:
0x35: {  	v0 =	vld [tilespmem:s18+$0xFFFFFFF0];
	(pc) =	sbr.rel @p1 .LBB1_3-.Ltmp3, $4  }
0x36: {  	_ = 	snop  }
0x37: {  	s15 =	sshra.s32 s15, $0x2  }
0x38: {  	s15 =	sadd.s32 s15, s16  }
0x39: {  	s18 =	sadd.s32 $0x20, s18;
	[tilespmem:s15+$0x810 ss:$0x81] =	vst.msk $0xffff, v1  }
.Ltmp4:
0x3a: {  	_ = 	snop;
	(pc) =	sbr.rel .LBB1_4-.Ltmp4, $1  }
0x3b: {  	_ =	sdelay $0x3  }
.LBB1_6:
0x3c: {  	_ =	sfence.sel $0x180000  }
0x3d: {  	s2 =	simm.s32 $0x1;
	[bflag:$0x0] =	sbarrier.arrive $0xFFFF  }
0x3e: {  	s31 =	simm.s32 $0x2;
	[sflag:s2] =	ssyncpa.u1 $0x1  }
0x3f: {  	[sflag:s31] =	ssyncpa.u1 $0x1  }
0x40: {  	p0 =	sne.s32 s0, $0x0;
	_ =	strace $0x9000004A  }
0x41: {  	s0 =	sadd.s32 @!p0 $0x100000, s1;
	[bflag:$0x2] =	sbarrier.arrive $0xFFFF  }
0x42: {  	[sflag:s0] =	ssyncadd.tile.s32 @!p0 $0x1;
	_ =	shalt  }
.Lfunc_end1:
_tile_overlayer_lowered:
.L_overlay_start_2:
0x43: {  	(tag) =	ssettag $0x2  }
0x44: {  	s0 =	rddreg [dreg:$0x0];
	s2 =	stileid.u32  }
0x45: {  	s1 =	rddreg [dreg:$0x1];
	p0 =	sne.s32 s2, $0x0  }
0x46: {  	s3 =	rddreg [dreg:$0x2];
	[bflag:$0x3] =	sbarrier.arrive $0xFFFF;
	s2 =	simm.s32 @!p0 $0x1C01  }
0x47: {  	[timem:s3], [sflag:s2] =	dma.local @!p0 [hbm:s0], s1  }
0x48: {  	s0 =	simm.s32 @!p0 $0x1  }
0x49: {  	_ =	swait.ge @!p0 [sflag:s0], s1  }
0x4a: {  	s1 =	ssub.s32 @!p0 $0x0, s1;
	[sflag:s0] =	ssyncset.done @!p0 $0x0  }
0x4b: {  	[sflag:s0] =	ssyncadd.s32 @!p0 s1  }
0x4c: {  	[bflag:$0x3] =	sbarrier.arrive $0xFFFF  }
0x4d: {  	_ =	shalt  }

</sc_bundles>
